<compile_context>
chip_gen: v7x
topology: tpu7x:2x2x1
jax: 0.10.2.dev20260603
libtpu: 0.0.44.dev20260713+nightly
codegen_flags: <defaults>
</compile_context>

<pallas_src>
import functools

import jax
import jax.numpy as jnp
from jax import lax
from jax.experimental import pallas as pl
from jax.experimental.pallas import tpu as pltpu
from jax.experimental.pallas import tpu_sc as plsc

N = 10000
E = 320000
F = 128
H = 64
G = 64

NC = 2
NS = 16
NW = NC * NS
EP = E // NW
K = 80
ITERS = EP // K
NP = 10240
RP = NP // NS

_sc_mesh = plsc.VectorSubcoreMesh(core_axis_name="c", subcore_axis_name="s")


@functools.partial(
    pl.kernel,
    out_type=jax.ShapeDtypeStruct((NC, NP, H), jnp.float32),
    mesh=_sc_mesh,
    scratch_types=[
        pltpu.VMEM((K,), jnp.int32),
        pltpu.VMEM((K,), jnp.int32),
        pltpu.VMEM((K, H), jnp.float32),
        pltpu.VMEM_SHARED((NP, H), jnp.float32),
        pltpu.SemaphoreType.DMA,
    ],
    compiler_params=pltpu.CompilerParams(use_tc_tiling_on_sc=False),
)
def _segsum_sc(a_hbm, src_hbm, dst_hbm, zero_hbm, out_hbm,
               sidx, didx, rows, acc, sem):
    c = lax.axis_index("c")
    s = lax.axis_index("s")
    wid = c * NS + s
    pltpu.sync_copy(zero_hbm, acc.at[pl.ds(s * RP, RP)])
    plsc.subcore_barrier()

    def body(j, carry):
        base = pl.multiple_of(wid * EP + j * K, 8)
        pltpu.sync_copy(src_hbm.at[pl.ds(base, K)], sidx)
        pltpu.sync_copy(dst_hbm.at[pl.ds(base, K)], didx)
        pltpu.async_copy(a_hbm.at[sidx], rows, sem).wait()
        pltpu.sync_copy(rows, acc.at[didx], add=True)
        return carry

    lax.fori_loop(0, ITERS, body, 0)
    plsc.subcore_barrier()
    pltpu.sync_copy(acc.at[pl.ds(s * RP, RP)],
                    out_hbm.at[c, pl.ds(s * RP, RP)])


def _relu(v):
    return jnp.maximum(v, 0.0)


def _tc_first(x_ref, wr_ref, br_ref, wo_ref, a_ref, b_ref):
    h = x_ref[...]
    a_ref[...] = jnp.dot(h, wr_ref[...], preferred_element_type=jnp.float32)
    b_ref[...] = (jnp.dot(h, wo_ref[...], preferred_element_type=jnp.float32)
                  + br_ref[...])


def _tc_mid(p_ref, bprev_ref, wr_ref, br_ref, wo_ref, a_ref, b_ref):
    p = p_ref[...]
    h = _relu(p[0, :N] + p[1, :N] + bprev_ref[...])
    a_ref[...] = jnp.dot(h, wr_ref[...], preferred_element_type=jnp.float32)
    b_ref[...] = (jnp.dot(h, wo_ref[...], preferred_element_type=jnp.float32)
                  + br_ref[...])


def _tc_final(p_ref, bprev_ref, batch_ref, wd_ref, bd_ref, wm_ref, bm_ref,
              mu_ref):
    p = p_ref[...]
    h = _relu(p[0, :N] + p[1, :N] + bprev_ref[...])
    gids = lax.broadcasted_iota(jnp.int32, (N, G), 1)
    m = (batch_ref[...] == gids).astype(jnp.float32)
    dn = (((0,), (0,)), ((), ()))
    psum = lax.dot_general(m, h, dn, preferred_element_type=jnp.float32)
    ones = jnp.ones((N, 1), dtype=jnp.float32)
    cnt = lax.dot_general(m, ones, dn, preferred_element_type=jnp.float32)
    pooled = psum / jnp.maximum(cnt, 1.0)
    d = _relu(jnp.dot(pooled, wd_ref[...],
                      preferred_element_type=jnp.float32) + bd_ref[...])
    mu_ref[...] = (jnp.dot(d, wm_ref[...],
                           preferred_element_type=jnp.float32) + bm_ref[...])


_first_call = pl.pallas_call(
    _tc_first,
    out_shape=[jax.ShapeDtypeStruct((N, H), jnp.float32),
               jax.ShapeDtypeStruct((N, H), jnp.float32)],
)

_mid_call = pl.pallas_call(
    _tc_mid,
    out_shape=[jax.ShapeDtypeStruct((N, H), jnp.float32),
               jax.ShapeDtypeStruct((N, H), jnp.float32)],
)

_final_call = pl.pallas_call(
    _tc_final,
    out_shape=jax.ShapeDtypeStruct((G, 1), jnp.float32),
)


def kernel(x, edge_index, batch,
           Wr0, br0, Wo0, Wr1, br1, Wo1, Wr2, br2, Wo2,
           Wr3, br3, Wo3, Wr4, br4, Wo4, Wr5, br5, Wo5,
           Wd, bd, Wm, bm):
    src = edge_index[0]
    dst = edge_index[1]
    zeros = jnp.zeros((RP, H), dtype=jnp.float32)
    batch2d = batch.reshape(N, 1)

    params = [(Wr0, br0, Wo0), (Wr1, br1, Wo1), (Wr2, br2, Wo2),
              (Wr3, br3, Wo3), (Wr4, br4, Wo4), (Wr5, br5, Wo5)]

    a, b = _first_call(x, Wr0, br0.reshape(1, H), Wo0)
    for Wr, br, Wo in params[1:]:
        p = _segsum_sc(a, src, dst, zeros)
        a, b = _mid_call(p, b, Wr, br.reshape(1, H), Wo)
    p = _segsum_sc(a, src, dst, zeros)
    mu = _final_call(p, b, batch2d, Wd, bd.reshape(1, H),
                     Wm, bm.reshape(1, 1))
    return mu.reshape(G)

# --- scband reference (transcript-rebuilt; emitter-appended) ---
"""Pipeline reference for scband-gcnnet-mse-35347580846782 (READ-ONLY COPY).

The authoritative reference and input builder live on the scoring server;
editing this copy changes nothing except your own understanding.
"""

import jax, jax.numpy as jnp
import numpy as np

N = 10000
E = 320000
F = 128
H = 64
G = 64


def setup_inputs(seed: int = 0):
    key = jax.random.key(seed)
    ks = jax.random.split(key, 32)
    inp = {}
    inp["x"] = jax.random.normal(ks[0], (N, F), dtype=jnp.float32)
    inp["edge_index"] = jax.random.randint(ks[1], (2, E), 0, N).astype(jnp.int32)
    inp["batch"] = jnp.sort(jax.random.randint(ks[2], (N,), 0, G)).astype(jnp.int32)
    dims = [(F, H)] + [(H, H)] * 5
    i = 3
    for li, (fi, fo) in enumerate(dims):
        inp[f"Wr{li}"] = jax.random.normal(ks[i], (fi, fo), dtype=jnp.float32) * 0.05
        i += 1
        inp[f"br{li}"] = jnp.zeros((fo,), dtype=jnp.float32)
        inp[f"Wo{li}"] = jax.random.normal(ks[i], (fi, fo), dtype=jnp.float32) * 0.05
        i += 1
    inp["Wd"] = jax.random.normal(ks[i], (H, H), dtype=jnp.float32) * 0.05
    i += 1
    inp["bd"] = jnp.zeros((H,), dtype=jnp.float32)
    inp["Wm"] = jax.random.normal(ks[i], (H, 1), dtype=jnp.float32) * 0.05
    inp["bm"] = jnp.zeros((1,), dtype=jnp.float32)
    return inp


def reference(x, edge_index, batch, Wr0, br0, Wo0, Wr1, br1, Wo1, Wr2, br2, Wo2, Wr3, br3, Wo3, Wr4, br4, Wo4, Wr5, br5, Wo5, Wd, bd, Wm, bm):
    # GraphConv (PyG): out = lin_rel(sum_{j in N(i)} x_j) + lin_root(x_i)
    src = edge_index[0]
    dst = edge_index[1]
    params = [(Wr0, br0, Wo0), (Wr1, br1, Wo1), (Wr2, br2, Wo2), (Wr3, br3, Wo3), (Wr4, br4, Wo4), (Wr5, br5, Wo5)]
    h = x
    for Wr, br, Wo in params:
        agg = jax.ops.segment_sum(h[src], dst, num_segments=N)
        h = jax.nn.relu(agg @ Wr + br + h @ Wo)
    ones = jnp.ones((h.shape[0],), dtype=h.dtype)
    counts = jax.ops.segment_sum(ones, batch, num_segments=G)
    pooled = jax.ops.segment_sum(h, batch, num_segments=G) / jnp.maximum(counts, 1.0)[:, None]
    d = jax.nn.relu(pooled @ Wd + bd)
    mu = (d @ Wm + bm)[:, 0]
    return mu

if __name__ == "__main__":
    import jax
    _d = setup_inputs()
    print(jax.jit(kernel)(*tuple(_d.values())))

</pallas_src>

<mosaic_0001>
#map = affine_map<(d0, d1) -> (0, 0)>
#map1 = affine_map<(d0, d1) -> (0)>
#map2 = affine_map<(d0, d1) -> (0, 0, 0)>
module attributes {stable_mosaic.version = 14 : i64} {
  func.func @_segsum_sc(%arg0: i32, %arg1: i32, %arg2: memref<10000x64xf32, #tpu.memory_space<hbm>>, %arg3: memref<320000xi32, #tpu.memory_space<hbm>>, %arg4: memref<320000xi32, #tpu.memory_space<hbm>>, %arg5: memref<640x64xf32, #tpu.memory_space<hbm>>, %arg6: memref<2x10240x64xf32, #tpu.memory_space<hbm>>, %arg7: memref<80xi32, #tpu.memory_space<vmem>>, %arg8: memref<80xi32, #tpu.memory_space<vmem>>, %arg9: memref<80x64xf32, #tpu.memory_space<vmem>>, %arg10: memref<10240x64xf32, #tpu.memory_space<vmem_shared>>, %arg11: memref<!tpu.dma_semaphore, #tpu.memory_space<semaphore_mem>>) attributes {dimension_semantics = [#tpu.dimension_semantics<core_parallel>, #tpu.dimension_semantics<subcore_parallel>], iteration_bounds = array<i64: 2, 16>, scalar_prefetch = 0 : i64, scratch_operands = 5 : i64, tpu.core_type = #tpu.core_type<sc_vector_subcore>, window_params = [{transform_indices = #map}, {transform_indices = #map1}, {transform_indices = #map1}, {transform_indices = #map}, {transform_indices = #map2}]} {
    %mul3A = arith.constant 16 : i32
    %mul3A_0 = arith.muli %arg0, %mul3A : i32
    %add3A = arith.addi %mul3A_0, %arg1 : i32
    %mul3A_1 = arith.constant 640 : i32
    %mul3A_2 = arith.muli %arg1, %mul3A_1 : i32
    "tpu.region"() ({
      %run_scoped3A = tpu.sem_alloc : memref<!tpu.dma_semaphore, #tpu.memory_space<semaphore_mem>>
      %dma_start3A = arith.constant 0 : i32
      %dma_start3A_13 = tpu.memref_slice %arg10[%mul3A_2, %dma_start3A] : memref<10240x64xf32, #tpu.memory_space<vmem_shared>> -> memref<640x64xf32, #tpu.memory_space<vmem_shared>>
      tpu.enqueue_dma source(%arg5 : memref<640x64xf32, #tpu.memory_space<hbm>>) target(%dma_start3A_13 : memref<640x64xf32, #tpu.memory_space<vmem_shared>>) target_semaphore(%run_scoped3A : memref<!tpu.dma_semaphore, #tpu.memory_space<semaphore_mem>>)
      %dma_wait3A = arith.constant 0 : i32
      %dma_wait3A_14 = tpu.memref_slice %arg10[%mul3A_2, %dma_wait3A] : memref<10240x64xf32, #tpu.memory_space<vmem_shared>> -> memref<640x64xf32, #tpu.memory_space<vmem_shared>>
      tpu.wait_dma2 semaphore(%run_scoped3A : memref<!tpu.dma_semaphore, #tpu.memory_space<semaphore_mem>>) src(%arg5 : memref<640x64xf32, #tpu.memory_space<hbm>>) dst(%dma_wait3A_14 : memref<640x64xf32, #tpu.memory_space<vmem_shared>>)
      tpu.yield
    }) : () -> ()
    %barrier3A = arith.constant 0 : index
    tpu.barrier barrier_id(%barrier3A)
    %scan3A = arith.constant 0 : i32
    %scan3A_3 = arith.constant 0 : i32
    %scan3A_4 = arith.constant 125 : i32
    %scan3A_5 = arith.addi %scan3A_3, %scan3A_4 : i32
    %scan3A_6 = arith.constant 1 : i32
    scf.for %scan3A_13 = %scan3A_3 to %scan3A_5 step %scan3A_6  : i32 {
      %mul3A_14 = arith.constant 10000 : i32
      %mul3A_15 = arith.muli %add3A, %mul3A_14 : i32
      %mul3A_16 = arith.constant 80 : i32
      %mul3A_17 = arith.muli %scan3A_13, %mul3A_16 : i32
      %add3A_18 = arith.addi %mul3A_15, %mul3A_17 : i32
      %multiple_of3A = tpu.assume_multiple %add3A_18, 8 : i32
      "tpu.region"() ({
        %run_scoped3A = tpu.sem_alloc : memref<!tpu.dma_semaphore, #tpu.memory_space<semaphore_mem>>
        %dma_start3A_23 = tpu.memref_slice %arg3[%multiple_of3A] : memref<320000xi32, #tpu.memory_space<hbm>> -> memref<80xi32, #tpu.memory_space<hbm>>
        %dma_start3A_24 = tpu.memref_slice %arg3[%multiple_of3A] : memref<320000xi32, #tpu.memory_space<hbm>> -> memref<80xi32, #tpu.memory_space<hbm>>
        tpu.enqueue_dma source(%dma_start3A_24 : memref<80xi32, #tpu.memory_space<hbm>>) target(%arg7 : memref<80xi32, #tpu.memory_space<vmem>>) target_semaphore(%run_scoped3A : memref<!tpu.dma_semaphore, #tpu.memory_space<semaphore_mem>>)
        %dma_wait3A_25 = tpu.memref_slice %arg3[%multiple_of3A] : memref<320000xi32, #tpu.memory_space<hbm>> -> memref<80xi32, #tpu.memory_space<hbm>>
        %dma_wait3A_26 = tpu.memref_slice %arg3[%multiple_of3A] : memref<320000xi32, #tpu.memory_space<hbm>> -> memref<80xi32, #tpu.memory_space<hbm>>
        tpu.wait_dma2 semaphore(%run_scoped3A : memref<!tpu.dma_semaphore, #tpu.memory_space<semaphore_mem>>) src(%dma_wait3A_26 : memref<80xi32, #tpu.memory_space<hbm>>) dst(%arg7 : memref<80xi32, #tpu.memory_space<vmem>>)
        tpu.yield
      }) : () -> ()
      "tpu.region"() ({
        %run_scoped3A = tpu.sem_alloc : memref<!tpu.dma_semaphore, #tpu.memory_space<semaphore_mem>>
        %dma_start3A_23 = tpu.memref_slice %arg4[%multiple_of3A] : memref<320000xi32, #tpu.memory_space<hbm>> -> memref<80xi32, #tpu.memory_space<hbm>>
        %dma_start3A_24 = tpu.memref_slice %arg4[%multiple_of3A] : memref<320000xi32, #tpu.memory_space<hbm>> -> memref<80xi32, #tpu.memory_space<hbm>>
        tpu.enqueue_dma source(%dma_start3A_24 : memref<80xi32, #tpu.memory_space<hbm>>) target(%arg8 : memref<80xi32, #tpu.memory_space<vmem>>) target_semaphore(%run_scoped3A : memref<!tpu.dma_semaphore, #tpu.memory_space<semaphore_mem>>)
        %dma_wait3A_25 = tpu.memref_slice %arg4[%multiple_of3A] : memref<320000xi32, #tpu.memory_space<hbm>> -> memref<80xi32, #tpu.memory_space<hbm>>
        %dma_wait3A_26 = tpu.memref_slice %arg4[%multiple_of3A] : memref<320000xi32, #tpu.memory_space<hbm>> -> memref<80xi32, #tpu.memory_space<hbm>>
        tpu.wait_dma2 semaphore(%run_scoped3A : memref<!tpu.dma_semaphore, #tpu.memory_space<semaphore_mem>>) src(%dma_wait3A_26 : memref<80xi32, #tpu.memory_space<hbm>>) dst(%arg8 : memref<80xi32, #tpu.memory_space<vmem>>)
        tpu.yield
      }) : () -> ()
      %dma_start3A = arith.constant 0 : i32
      %dma_start3A_19 = arith.constant 0 : i32
      %dma_start3A_20 = tpu.memref_slice %arg2[%dma_start3A, %dma_start3A_19] : memref<10000x64xf32, #tpu.memory_space<hbm>> -> memref<10000x64xf32, #tpu.memory_space<hbm>>
      tpu.enqueue_indirect_dma source(%dma_start3A_20 : memref<10000x64xf32, #tpu.memory_space<hbm>>) target(%arg9 : memref<80x64xf32, #tpu.memory_space<vmem>>) offsets(%arg7 : memref<80xi32, #tpu.memory_space<vmem>>) semaphore(%arg11 : memref<!tpu.dma_semaphore, #tpu.memory_space<semaphore_mem>>)
      %dma_wait3A = arith.constant 0 : i32
      %dma_wait3A_21 = arith.constant 0 : i32
      %dma_wait3A_22 = tpu.memref_slice %arg2[%dma_wait3A, %dma_wait3A_21] : memref<10000x64xf32, #tpu.memory_space<hbm>> -> memref<10000x64xf32, #tpu.memory_space<hbm>>
      tpu.wait_indirect_dma semaphore(%arg11 : memref<!tpu.dma_semaphore, #tpu.memory_space<semaphore_mem>>) src(%dma_wait3A_22 : memref<10000x64xf32, #tpu.memory_space<hbm>>) dst(%arg9 : memref<80x64xf32, #tpu.memory_space<vmem>>)
      "tpu.region"() ({
        %run_scoped3A = tpu.sem_alloc : memref<!tpu.dma_semaphore, #tpu.memory_space<semaphore_mem>>
        %dma_start3A_23 = arith.constant 0 : i32
        %dma_start3A_24 = arith.constant 0 : i32
        %dma_start3A_25 = tpu.memref_slice %arg10[%dma_start3A_23, %dma_start3A_24] : memref<10240x64xf32, #tpu.memory_space<vmem_shared>> -> memref<10240x64xf32, #tpu.memory_space<vmem_shared>>
        tpu.enqueue_indirect_dma source(%arg9 : memref<80x64xf32, #tpu.memory_space<vmem>>) target(%dma_start3A_25 : memref<10240x64xf32, #tpu.memory_space<vmem_shared>>) offsets(%arg8 : memref<80xi32, #tpu.memory_space<vmem>>) semaphore(%run_scoped3A : memref<!tpu.dma_semaphore, #tpu.memory_space<semaphore_mem>>) {add = true}
        %dma_wait3A_26 = arith.constant 0 : i32
        %dma_wait3A_27 = arith.constant 0 : i32
        %dma_wait3A_28 = tpu.memref_slice %arg10[%dma_wait3A_26, %dma_wait3A_27] : memref<10240x64xf32, #tpu.memory_space<vmem_shared>> -> memref<10240x64xf32, #tpu.memory_space<vmem_shared>>
        tpu.wait_indirect_dma semaphore(%run_scoped3A : memref<!tpu.dma_semaphore, #tpu.memory_space<semaphore_mem>>) src(%arg9 : memref<80x64xf32, #tpu.memory_space<vmem>>) dst(%dma_wait3A_28 : memref<10240x64xf32, #tpu.memory_space<vmem_shared>>)
        tpu.yield
      }) : () -> ()
    }
    %scan3A_7 = arith.constant 125 : i32
    %barrier3A_8 = arith.constant 0 : index
    tpu.barrier barrier_id(%barrier3A_8)
    %mul3A_9 = arith.constant 640 : i32
    %mul3A_10 = arith.muli %arg1, %mul3A_9 : i32
    %mul3A_11 = arith.constant 640 : i32
    %mul3A_12 = arith.muli %arg1, %mul3A_11 : i32
    "tpu.region"() ({
      %run_scoped3A = tpu.sem_alloc : memref<!tpu.dma_semaphore, #tpu.memory_space<semaphore_mem>>
      %dma_start3A = arith.constant 0 : i32
      %dma_start3A_13 = tpu.memref_slice %arg6[%arg0, %mul3A_12, %dma_start3A] : memref<2x10240x64xf32, #tpu.memory_space<hbm>> -> memref<1x640x64xf32, #tpu.memory_space<hbm>>
      %dma_start3A_14 = tpu.memref_squeeze %dma_start3A_13 : memref<1x640x64xf32, #tpu.memory_space<hbm>> -> memref<640x64xf32, #tpu.memory_space<hbm>>
      %dma_start3A_15 = arith.constant 0 : i32
      %dma_start3A_16 = tpu.memref_slice %arg10[%mul3A_10, %dma_start3A_15] : memref<10240x64xf32, #tpu.memory_space<vmem_shared>> -> memref<640x64xf32, #tpu.memory_space<vmem_shared>>
      tpu.enqueue_dma source(%dma_start3A_16 : memref<640x64xf32, #tpu.memory_space<vmem_shared>>) target(%dma_start3A_14 : memref<640x64xf32, #tpu.memory_space<hbm>>) target_semaphore(%run_scoped3A : memref<!tpu.dma_semaphore, #tpu.memory_space<semaphore_mem>>)
      %dma_wait3A = arith.constant 0 : i32
      %dma_wait3A_17 = tpu.memref_slice %arg6[%arg0, %mul3A_12, %dma_wait3A] : memref<2x10240x64xf32, #tpu.memory_space<hbm>> -> memref<1x640x64xf32, #tpu.memory_space<hbm>>
      %dma_wait3A_18 = tpu.memref_squeeze %dma_wait3A_17 : memref<1x640x64xf32, #tpu.memory_space<hbm>> -> memref<640x64xf32, #tpu.memory_space<hbm>>
      %dma_wait3A_19 = arith.constant 0 : i32
      %dma_wait3A_20 = tpu.memref_slice %arg10[%mul3A_10, %dma_wait3A_19] : memref<10240x64xf32, #tpu.memory_space<vmem_shared>> -> memref<640x64xf32, #tpu.memory_space<vmem_shared>>
      tpu.wait_dma2 semaphore(%run_scoped3A : memref<!tpu.dma_semaphore, #tpu.memory_space<semaphore_mem>>) src(%dma_wait3A_20 : memref<640x64xf32, #tpu.memory_space<vmem_shared>>) dst(%dma_wait3A_18 : memref<640x64xf32, #tpu.memory_space<hbm>>)
      tpu.yield
    }) : () -> ()
    return
  }
}

#map = affine_map<(d0, d1) -> (0, 0)>
#map1 = affine_map<(d0, d1) -> (0)>
#map2 = affine_map<(d0, d1) -> (0, 0, 0)>
module attributes {stable_mosaic.version = 14 : i64} {
  func.func @_segsum_sc(%arg0: i32, %arg1: i32, %arg2: memref<10000x64xf32, #tpu.memory_space<hbm>>, %arg3: memref<320000xi32, #tpu.memory_space<hbm>>, %arg4: memref<320000xi32, #tpu.memory_space<hbm>>, %arg5: memref<640x64xf32, #tpu.memory_space<hbm>>, %arg6: memref<2x10240x64xf32, #tpu.memory_space<hbm>>, %arg7: memref<80xi32, #tpu.memory_space<vmem>>, %arg8: memref<80xi32, #tpu.memory_space<vmem>>, %arg9: memref<80x64xf32, #tpu.memory_space<vmem>>, %arg10: memref<10240x64xf32, #tpu.memory_space<vmem_shared>>, %arg11: memref<!tpu.dma_semaphore, #tpu.memory_space<semaphore_mem>>) attributes {dimension_semantics = [#tpu.dimension_semantics<core_parallel>, #tpu.dimension_semantics<subcore_parallel>], iteration_bounds = array<i64: 2, 16>, scalar_prefetch = 0 : i64, scratch_operands = 5 : i64, tpu.core_type = #tpu.core_type<sc_vector_subcore>, window_params = [{transform_indices = #map}, {transform_indices = #map1}, {transform_indices = #map1}, {transform_indices = #map}, {transform_indices = #map2}]} {
    %mul3A = arith.constant 16 : i32
    %mul3A_0 = arith.muli %arg0, %mul3A : i32
    %add3A = arith.addi %mul3A_0, %arg1 : i32
    %mul3A_1 = arith.constant 640 : i32
    %mul3A_2 = arith.muli %arg1, %mul3A_1 : i32
    "tpu.region"() ({
      %run_scoped3A = tpu.sem_alloc : memref<!tpu.dma_semaphore, #tpu.memory_space<semaphore_mem>>
      %dma_start3A = arith.constant 0 : i32
      %dma_start3A_13 = tpu.memref_slice %arg10[%mul3A_2, %dma_start3A] : memref<10240x64xf32, #tpu.memory_space<vmem_shared>> -> memref<640x64xf32, #tpu.memory_space<vmem_shared>>
      tpu.enqueue_dma source(%arg5 : memref<640x64xf32, #tpu.memory_space<hbm>>) target(%dma_start3A_13 : memref<640x64xf32, #tpu.memory_space<vmem_shared>>) target_semaphore(%run_scoped3A : memref<!tpu.dma_semaphore, #tpu.memory_space<semaphore_mem>>)
      %dma_wait3A = arith.constant 0 : i32
      %dma_wait3A_14 = tpu.memref_slice %arg10[%mul3A_2, %dma_wait3A] : memref<10240x64xf32, #tpu.memory_space<vmem_shared>> -> memref<640x64xf32, #tpu.memory_space<vmem_shared>>
      tpu.wait_dma2 semaphore(%run_scoped3A : memref<!tpu.dma_semaphore, #tpu.memory_space<semaphore_mem>>) src(%arg5 : memref<640x64xf32, #tpu.memory_space<hbm>>) dst(%dma_wait3A_14 : memref<640x64xf32, #tpu.memory_space<vmem_shared>>)
      tpu.yield
    }) : () -> ()
    %barrier3A = arith.constant 0 : index
    tpu.barrier barrier_id(%barrier3A)
    %scan3A = arith.constant 0 : i32
    %scan3A_3 = arith.constant 0 : i32
    %scan3A_4 = arith.constant 125 : i32
    %scan3A_5 = arith.addi %scan3A_3, %scan3A_4 : i32
    %scan3A_6 = arith.constant 1 : i32
    scf.for %scan3A_13 = %scan3A_3 to %scan3A_5 step %scan3A_6  : i32 {
      %mul3A_14 = arith.constant 10000 : i32
      %mul3A_15 = arith.muli %add3A, %mul3A_14 : i32
      %mul3A_16 = arith.constant 80 : i32
      %mul3A_17 = arith.muli %scan3A_13, %mul3A_16 : i32
      %add3A_18 = arith.addi %mul3A_15, %mul3A_17 : i32
      %multiple_of3A = tpu.assume_multiple %add3A_18, 8 : i32
      "tpu.region"() ({
        %run_scoped3A = tpu.sem_alloc : memref<!tpu.dma_semaphore, #tpu.memory_space<semaphore_mem>>
        %dma_start3A_23 = tpu.memref_slice %arg3[%multiple_of3A] : memref<320000xi32, #tpu.memory_space<hbm>> -> memref<80xi32, #tpu.memory_space<hbm>>
        %dma_start3A_24 = tpu.memref_slice %arg3[%multiple_of3A] : memref<320000xi32, #tpu.memory_space<hbm>> -> memref<80xi32, #tpu.memory_space<hbm>>
        tpu.enqueue_dma source(%dma_start3A_24 : memref<80xi32, #tpu.memory_space<hbm>>) target(%arg7 : memref<80xi32, #tpu.memory_space<vmem>>) target_semaphore(%run_scoped3A : memref<!tpu.dma_semaphore, #tpu.memory_space<semaphore_mem>>)
        %dma_wait3A_25 = tpu.memref_slice %arg3[%multiple_of3A] : memref<320000xi32, #tpu.memory_space<hbm>> -> memref<80xi32, #tpu.memory_space<hbm>>
        %dma_wait3A_26 = tpu.memref_slice %arg3[%multiple_of3A] : memref<320000xi32, #tpu.memory_space<hbm>> -> memref<80xi32, #tpu.memory_space<hbm>>
        tpu.wait_dma2 semaphore(%run_scoped3A : memref<!tpu.dma_semaphore, #tpu.memory_space<semaphore_mem>>) src(%dma_wait3A_26 : memref<80xi32, #tpu.memory_space<hbm>>) dst(%arg7 : memref<80xi32, #tpu.memory_space<vmem>>)
        tpu.yield
      }) : () -> ()
      "tpu.region"() ({
        %run_scoped3A = tpu.sem_alloc : memref<!tpu.dma_semaphore, #tpu.memory_space<semaphore_mem>>
        %dma_start3A_23 = tpu.memref_slice %arg4[%multiple_of3A] : memref<320000xi32, #tpu.memory_space<hbm>> -> memref<80xi32, #tpu.memory_space<hbm>>
        %dma_start3A_24 = tpu.memref_slice %arg4[%multiple_of3A] : memref<320000xi32, #tpu.memory_space<hbm>> -> memref<80xi32, #tpu.memory_space<hbm>>
        tpu.enqueue_dma source(%dma_start3A_24 : memref<80xi32, #tpu.memory_space<hbm>>) target(%arg8 : memref<80xi32, #tpu.memory_space<vmem>>) target_semaphore(%run_scoped3A : memref<!tpu.dma_semaphore, #tpu.memory_space<semaphore_mem>>)
        %dma_wait3A_25 = tpu.memref_slice %arg4[%multiple_of3A] : memref<320000xi32, #tpu.memory_space<hbm>> -> memref<80xi32, #tpu.memory_space<hbm>>
        %dma_wait3A_26 = tpu.memref_slice %arg4[%multiple_of3A] : memref<320000xi32, #tpu.memory_space<hbm>> -> memref<80xi32, #tpu.memory_space<hbm>>
        tpu.wait_dma2 semaphore(%run_scoped3A : memref<!tpu.dma_semaphore, #tpu.memory_space<semaphore_mem>>) src(%dma_wait3A_26 : memref<80xi32, #tpu.memory_space<hbm>>) dst(%arg8 : memref<80xi32, #tpu.memory_space<vmem>>)
        tpu.yield
      }) : () -> ()
      %dma_start3A = arith.constant 0 : i32
      %dma_start3A_19 = arith.constant 0 : i32
      %dma_start3A_20 = tpu.memref_slice %arg2[%dma_start3A, %dma_start3A_19] : memref<10000x64xf32, #tpu.memory_space<hbm>> -> memref<10000x64xf32, #tpu.memory_space<hbm>>
      tpu.enqueue_indirect_dma source(%dma_start3A_20 : memref<10000x64xf32, #tpu.memory_space<hbm>>) target(%arg9 : memref<80x64xf32, #tpu.memory_space<vmem>>) offsets(%arg7 : memref<80xi32, #tpu.memory_space<vmem>>) semaphore(%arg11 : memref<!tpu.dma_semaphore, #tpu.memory_space<semaphore_mem>>)
      %dma_wait3A = arith.constant 0 : i32
      %dma_wait3A_21 = arith.constant 0 : i32
      %dma_wait3A_22 = tpu.memref_slice %arg2[%dma_wait3A, %dma_wait3A_21] : memref<10000x64xf32, #tpu.memory_space<hbm>> -> memref<10000x64xf32, #tpu.memory_space<hbm>>
      tpu.wait_indirect_dma semaphore(%arg11 : memref<!tpu.dma_semaphore, #tpu.memory_space<semaphore_mem>>) src(%dma_wait3A_22 : memref<10000x64xf32, #tpu.memory_space<hbm>>) dst(%arg9 : memref<80x64xf32, #tpu.memory_space<vmem>>)
      "tpu.region"() ({
        %run_scoped3A = tpu.sem_alloc : memref<!tpu.dma_semaphore, #tpu.memory_space<semaphore_mem>>
        %dma_start3A_23 = arith.constant 0 : i32
        %dma_start3A_24 = arith.constant 0 : i32
        %dma_start3A_25 = tpu.memref_slice %arg10[%dma_start3A_23, %dma_start3A_24] : memref<10240x64xf32, #tpu.memory_space<vmem_shared>> -> memref<10240x64xf32, #tpu.memory_space<vmem_shared>>
        tpu.enqueue_indirect_dma source(%arg9 : memref<80x64xf32, #tpu.memory_space<vmem>>) target(%dma_start3A_25 : memref<10240x64xf32, #tpu.memory_space<vmem_shared>>) offsets(%arg8 : memref<80xi32, #tpu.memory_space<vmem>>) semaphore(%run_scoped3A : memref<!tpu.dma_semaphore, #tpu.memory_space<semaphore_mem>>) {add = true}
        %dma_wait3A_26 = arith.constant 0 : i32
        %dma_wait3A_27 = arith.constant 0 : i32
        %dma_wait3A_28 = tpu.memref_slice %arg10[%dma_wait3A_26, %dma_wait3A_27] : memref<10240x64xf32, #tpu.memory_space<vmem_shared>> -> memref<10240x64xf32, #tpu.memory_space<vmem_shared>>
        tpu.wait_indirect_dma semaphore(%run_scoped3A : memref<!tpu.dma_semaphore, #tpu.memory_space<semaphore_mem>>) src(%arg9 : memref<80x64xf32, #tpu.memory_space<vmem>>) dst(%dma_wait3A_28 : memref<10240x64xf32, #tpu.memory_space<vmem_shared>>)
        tpu.yield
      }) : () -> ()
    }
    %scan3A_7 = arith.constant 125 : i32
    %barrier3A_8 = arith.constant 0 : index
    tpu.barrier barrier_id(%barrier3A_8)
    %mul3A_9 = arith.constant 640 : i32
    %mul3A_10 = arith.muli %arg1, %mul3A_9 : i32
    %mul3A_11 = arith.constant 640 : i32
    %mul3A_12 = arith.muli %arg1, %mul3A_11 : i32
    "tpu.region"() ({
      %run_scoped3A = tpu.sem_alloc : memref<!tpu.dma_semaphore, #tpu.memory_space<semaphore_mem>>
      %dma_start3A = arith.constant 0 : i32
      %dma_start3A_13 = tpu.memref_slice %arg6[%arg0, %mul3A_12, %dma_start3A] : memref<2x10240x64xf32, #tpu.memory_space<hbm>> -> memref<1x640x64xf32, #tpu.memory_space<hbm>>
      %dma_start3A_14 = tpu.memref_squeeze %dma_start3A_13 : memref<1x640x64xf32, #tpu.memory_space<hbm>> -> memref<640x64xf32, #tpu.memory_space<hbm>>
      %dma_start3A_15 = arith.constant 0 : i32
      %dma_start3A_16 = tpu.memref_slice %arg10[%mul3A_10, %dma_start3A_15] : memref<10240x64xf32, #tpu.memory_space<vmem_shared>> -> memref<640x64xf32, #tpu.memory_space<vmem_shared>>
      tpu.enqueue_dma source(%dma_start3A_16 : memref<640x64xf32, #tpu.memory_space<vmem_shared>>) target(%dma_start3A_14 : memref<640x64xf32, #tpu.memory_space<hbm>>) target_semaphore(%run_scoped3A : memref<!tpu.dma_semaphore, #tpu.memory_space<semaphore_mem>>)
      %dma_wait3A = arith.constant 0 : i32
      %dma_wait3A_17 = tpu.memref_slice %arg6[%arg0, %mul3A_12, %dma_wait3A] : memref<2x10240x64xf32, #tpu.memory_space<hbm>> -> memref<1x640x64xf32, #tpu.memory_space<hbm>>
      %dma_wait3A_18 = tpu.memref_squeeze %dma_wait3A_17 : memref<1x640x64xf32, #tpu.memory_space<hbm>> -> memref<640x64xf32, #tpu.memory_space<hbm>>
      %dma_wait3A_19 = arith.constant 0 : i32
      %dma_wait3A_20 = tpu.memref_slice %arg10[%mul3A_10, %dma_wait3A_19] : memref<10240x64xf32, #tpu.memory_space<vmem_shared>> -> memref<640x64xf32, #tpu.memory_space<vmem_shared>>
      tpu.wait_dma2 semaphore(%run_scoped3A : memref<!tpu.dma_semaphore, #tpu.memory_space<semaphore_mem>>) src(%dma_wait3A_20 : memref<640x64xf32, #tpu.memory_space<vmem_shared>>) dst(%dma_wait3A_18 : memref<640x64xf32, #tpu.memory_space<hbm>>)
      tpu.yield
    }) : () -> ()
    return
  }
}

#map = affine_map<(d0, d1) -> (0, 0)>
#map1 = affine_map<(d0, d1) -> (0)>
#map2 = affine_map<(d0, d1) -> (0, 0, 0)>
module attributes {stable_mosaic.version = 14 : i64} {
  func.func @_segsum_sc(%arg0: i32, %arg1: i32, %arg2: memref<10000x64xf32, #tpu.memory_space<hbm>>, %arg3: memref<320000xi32, #tpu.memory_space<hbm>>, %arg4: memref<320000xi32, #tpu.memory_space<hbm>>, %arg5: memref<640x64xf32, #tpu.memory_space<hbm>>, %arg6: memref<2x10240x64xf32, #tpu.memory_space<hbm>>, %arg7: memref<80xi32, #tpu.memory_space<vmem>>, %arg8: memref<80xi32, #tpu.memory_space<vmem>>, %arg9: memref<80x64xf32, #tpu.memory_space<vmem>>, %arg10: memref<10240x64xf32, #tpu.memory_space<vmem_shared>>, %arg11: memref<!tpu.dma_semaphore, #tpu.memory_space<semaphore_mem>>) attributes {dimension_semantics = [#tpu.dimension_semantics<core_parallel>, #tpu.dimension_semantics<subcore_parallel>], iteration_bounds = array<i64: 2, 16>, scalar_prefetch = 0 : i64, scratch_operands = 5 : i64, tpu.core_type = #tpu.core_type<sc_vector_subcore>, window_params = [{transform_indices = #map}, {transform_indices = #map1}, {transform_indices = #map1}, {transform_indices = #map}, {transform_indices = #map2}]} {
    %mul3A = arith.constant 16 : i32
    %mul3A_0 = arith.muli %arg0, %mul3A : i32
    %add3A = arith.addi %mul3A_0, %arg1 : i32
    %mul3A_1 = arith.constant 640 : i32
    %mul3A_2 = arith.muli %arg1, %mul3A_1 : i32
    "tpu.region"() ({
      %run_scoped3A = tpu.sem_alloc : memref<!tpu.dma_semaphore, #tpu.memory_space<semaphore_mem>>
      %dma_start3A = arith.constant 0 : i32
      %dma_start3A_13 = tpu.memref_slice %arg10[%mul3A_2, %dma_start3A] : memref<10240x64xf32, #tpu.memory_space<vmem_shared>> -> memref<640x64xf32, #tpu.memory_space<vmem_shared>>
      tpu.enqueue_dma source(%arg5 : memref<640x64xf32, #tpu.memory_space<hbm>>) target(%dma_start3A_13 : memref<640x64xf32, #tpu.memory_space<vmem_shared>>) target_semaphore(%run_scoped3A : memref<!tpu.dma_semaphore, #tpu.memory_space<semaphore_mem>>)
      %dma_wait3A = arith.constant 0 : i32
      %dma_wait3A_14 = tpu.memref_slice %arg10[%mul3A_2, %dma_wait3A] : memref<10240x64xf32, #tpu.memory_space<vmem_shared>> -> memref<640x64xf32, #tpu.memory_space<vmem_shared>>
      tpu.wait_dma2 semaphore(%run_scoped3A : memref<!tpu.dma_semaphore, #tpu.memory_space<semaphore_mem>>) src(%arg5 : memref<640x64xf32, #tpu.memory_space<hbm>>) dst(%dma_wait3A_14 : memref<640x64xf32, #tpu.memory_space<vmem_shared>>)
      tpu.yield
    }) : () -> ()
    %barrier3A = arith.constant 0 : index
    tpu.barrier barrier_id(%barrier3A)
    %scan3A = arith.constant 0 : i32
    %scan3A_3 = arith.constant 0 : i32
    %scan3A_4 = arith.constant 125 : i32
    %scan3A_5 = arith.addi %scan3A_3, %scan3A_4 : i32
    %scan3A_6 = arith.constant 1 : i32
    scf.for %scan3A_13 = %scan3A_3 to %scan3A_5 step %scan3A_6  : i32 {
      %mul3A_14 = arith.constant 10000 : i32
      %mul3A_15 = arith.muli %add3A, %mul3A_14 : i32
      %mul3A_16 = arith.constant 80 : i32
      %mul3A_17 = arith.muli %scan3A_13, %mul3A_16 : i32
      %add3A_18 = arith.addi %mul3A_15, %mul3A_17 : i32
      %multiple_of3A = tpu.assume_multiple %add3A_18, 8 : i32
      "tpu.region"() ({
        %run_scoped3A = tpu.sem_alloc : memref<!tpu.dma_semaphore, #tpu.memory_space<semaphore_mem>>
        %dma_start3A_23 = tpu.memref_slice %arg3[%multiple_of3A] : memref<320000xi32, #tpu.memory_space<hbm>> -> memref<80xi32, #tpu.memory_space<hbm>>
        %dma_start3A_24 = tpu.memref_slice %arg3[%multiple_of3A] : memref<320000xi32, #tpu.memory_space<hbm>> -> memref<80xi32, #tpu.memory_space<hbm>>
        tpu.enqueue_dma source(%dma_start3A_24 : memref<80xi32, #tpu.memory_space<hbm>>) target(%arg7 : memref<80xi32, #tpu.memory_space<vmem>>) target_semaphore(%run_scoped3A : memref<!tpu.dma_semaphore, #tpu.memory_space<semaphore_mem>>)
        %dma_wait3A_25 = tpu.memref_slice %arg3[%multiple_of3A] : memref<320000xi32, #tpu.memory_space<hbm>> -> memref<80xi32, #tpu.memory_space<hbm>>
        %dma_wait3A_26 = tpu.memref_slice %arg3[%multiple_of3A] : memref<320000xi32, #tpu.memory_space<hbm>> -> memref<80xi32, #tpu.memory_space<hbm>>
        tpu.wait_dma2 semaphore(%run_scoped3A : memref<!tpu.dma_semaphore, #tpu.memory_space<semaphore_mem>>) src(%dma_wait3A_26 : memref<80xi32, #tpu.memory_space<hbm>>) dst(%arg7 : memref<80xi32, #tpu.memory_space<vmem>>)
        tpu.yield
      }) : () -> ()
      "tpu.region"() ({
        %run_scoped3A = tpu.sem_alloc : memref<!tpu.dma_semaphore, #tpu.memory_space<semaphore_mem>>
        %dma_start3A_23 = tpu.memref_slice %arg4[%multiple_of3A] : memref<320000xi32, #tpu.memory_space<hbm>> -> memref<80xi32, #tpu.memory_space<hbm>>
        %dma_start3A_24 = tpu.memref_slice %arg4[%multiple_of3A] : memref<320000xi32, #tpu.memory_space<hbm>> -> memref<80xi32, #tpu.memory_space<hbm>>
        tpu.enqueue_dma source(%dma_start3A_24 : memref<80xi32, #tpu.memory_space<hbm>>) target(%arg8 : memref<80xi32, #tpu.memory_space<vmem>>) target_semaphore(%run_scoped3A : memref<!tpu.dma_semaphore, #tpu.memory_space<semaphore_mem>>)
        %dma_wait3A_25 = tpu.memref_slice %arg4[%multiple_of3A] : memref<320000xi32, #tpu.memory_space<hbm>> -> memref<80xi32, #tpu.memory_space<hbm>>
        %dma_wait3A_26 = tpu.memref_slice %arg4[%multiple_of3A] : memref<320000xi32, #tpu.memory_space<hbm>> -> memref<80xi32, #tpu.memory_space<hbm>>
        tpu.wait_dma2 semaphore(%run_scoped3A : memref<!tpu.dma_semaphore, #tpu.memory_space<semaphore_mem>>) src(%dma_wait3A_26 : memref<80xi32, #tpu.memory_space<hbm>>) dst(%arg8 : memref<80xi32, #tpu.memory_space<vmem>>)
        tpu.yield
      }) : () -> ()
      %dma_start3A = arith.constant 0 : i32
      %dma_start3A_19 = arith.constant 0 : i32
      %dma_start3A_20 = tpu.memref_slice %arg2[%dma_start3A, %dma_start3A_19] : memref<10000x64xf32, #tpu.memory_space<hbm>> -> memref<10000x64xf32, #tpu.memory_space<hbm>>
      tpu.enqueue_indirect_dma source(%dma_start3A_20 : memref<10000x64xf32, #tpu.memory_space<hbm>>) target(%arg9 : memref<80x64xf32, #tpu.memory_space<vmem>>) offsets(%arg7 : memref<80xi32, #tpu.memory_space<vmem>>) semaphore(%arg11 : memref<!tpu.dma_semaphore, #tpu.memory_space<semaphore_mem>>)
      %dma_wait3A = arith.constant 0 : i32
      %dma_wait3A_21 = arith.constant 0 : i32
      %dma_wait3A_22 = tpu.memref_slice %arg2[%dma_wait3A, %dma_wait3A_21] : memref<10000x64xf32, #tpu.memory_space<hbm>> -> memref<10000x64xf32, #tpu.memory_space<hbm>>
      tpu.wait_indirect_dma semaphore(%arg11 : memref<!tpu.dma_semaphore, #tpu.memory_space<semaphore_mem>>) src(%dma_wait3A_22 : memref<10000x64xf32, #tpu.memory_space<hbm>>) dst(%arg9 : memref<80x64xf32, #tpu.memory_space<vmem>>)
      "tpu.region"() ({
        %run_scoped3A = tpu.sem_alloc : memref<!tpu.dma_semaphore, #tpu.memory_space<semaphore_mem>>
        %dma_start3A_23 = arith.constant 0 : i32
        %dma_start3A_24 = arith.constant 0 : i32
        %dma_start3A_25 = tpu.memref_slice %arg10[%dma_start3A_23, %dma_start3A_24] : memref<10240x64xf32, #tpu.memory_space<vmem_shared>> -> memref<10240x64xf32, #tpu.memory_space<vmem_shared>>
        tpu.enqueue_indirect_dma source(%arg9 : memref<80x64xf32, #tpu.memory_space<vmem>>) target(%dma_start3A_25 : memref<10240x64xf32, #tpu.memory_space<vmem_shared>>) offsets(%arg8 : memref<80xi32, #tpu.memory_space<vmem>>) semaphore(%run_scoped3A : memref<!tpu.dma_semaphore, #tpu.memory_space<semaphore_mem>>) {add = true}
        %dma_wait3A_26 = arith.constant 0 : i32
        %dma_wait3A_27 = arith.constant 0 : i32
        %dma_wait3A_28 = tpu.memref_slice %arg10[%dma_wait3A_26, %dma_wait3A_27] : memref<10240x64xf32, #tpu.memory_space<vmem_shared>> -> memref<10240x64xf32, #tpu.memory_space<vmem_shared>>
        tpu.wait_indirect_dma semaphore(%run_scoped3A : memref<!tpu.dma_semaphore, #tpu.memory_space<semaphore_mem>>) src(%arg9 : memref<80x64xf32, #tpu.memory_space<vmem>>) dst(%dma_wait3A_28 : memref<10240x64xf32, #tpu.memory_space<vmem_shared>>)
        tpu.yield
      }) : () -> ()
    }
    %scan3A_7 = arith.constant 125 : i32
    %barrier3A_8 = arith.constant 0 : index
    tpu.barrier barrier_id(%barrier3A_8)
    %mul3A_9 = arith.constant 640 : i32
    %mul3A_10 = arith.muli %arg1, %mul3A_9 : i32
    %mul3A_11 = arith.constant 640 : i32
    %mul3A_12 = arith.muli %arg1, %mul3A_11 : i32
    "tpu.region"() ({
      %run_scoped3A = tpu.sem_alloc : memref<!tpu.dma_semaphore, #tpu.memory_space<semaphore_mem>>
      %dma_start3A = arith.constant 0 : i32
      %dma_start3A_13 = tpu.memref_slice %arg6[%arg0, %mul3A_12, %dma_start3A] : memref<2x10240x64xf32, #tpu.memory_space<hbm>> -> memref<1x640x64xf32, #tpu.memory_space<hbm>>
      %dma_start3A_14 = tpu.memref_squeeze %dma_start3A_13 : memref<1x640x64xf32, #tpu.memory_space<hbm>> -> memref<640x64xf32, #tpu.memory_space<hbm>>
      %dma_start3A_15 = arith.constant 0 : i32
      %dma_start3A_16 = tpu.memref_slice %arg10[%mul3A_10, %dma_start3A_15] : memref<10240x64xf32, #tpu.memory_space<vmem_shared>> -> memref<640x64xf32, #tpu.memory_space<vmem_shared>>
      tpu.enqueue_dma source(%dma_start3A_16 : memref<640x64xf32, #tpu.memory_space<vmem_shared>>) target(%dma_start3A_14 : memref<640x64xf32, #tpu.memory_space<hbm>>) target_semaphore(%run_scoped3A : memref<!tpu.dma_semaphore, #tpu.memory_space<semaphore_mem>>)
      %dma_wait3A = arith.constant 0 : i32
      %dma_wait3A_17 = tpu.memref_slice %arg6[%arg0, %mul3A_12, %dma_wait3A] : memref<2x10240x64xf32, #tpu.memory_space<hbm>> -> memref<1x640x64xf32, #tpu.memory_space<hbm>>
      %dma_wait3A_18 = tpu.memref_squeeze %dma_wait3A_17 : memref<1x640x64xf32, #tpu.memory_space<hbm>> -> memref<640x64xf32, #tpu.memory_space<hbm>>
      %dma_wait3A_19 = arith.constant 0 : i32
      %dma_wait3A_20 = tpu.memref_slice %arg10[%mul3A_10, %dma_wait3A_19] : memref<10240x64xf32, #tpu.memory_space<vmem_shared>> -> memref<640x64xf32, #tpu.memory_space<vmem_shared>>
      tpu.wait_dma2 semaphore(%run_scoped3A : memref<!tpu.dma_semaphore, #tpu.memory_space<semaphore_mem>>) src(%dma_wait3A_20 : memref<640x64xf32, #tpu.memory_space<vmem_shared>>) dst(%dma_wait3A_18 : memref<640x64xf32, #tpu.memory_space<hbm>>)
      tpu.yield
    }) : () -> ()
    return
  }
}

#map = affine_map<(d0, d1) -> (0, 0)>
#map1 = affine_map<(d0, d1) -> (0)>
#map2 = affine_map<(d0, d1) -> (0, 0, 0)>
module attributes {stable_mosaic.version = 14 : i64} {
  func.func @_segsum_sc(%arg0: i32, %arg1: i32, %arg2: memref<10000x64xf32, #tpu.memory_space<hbm>>, %arg3: memref<320000xi32, #tpu.memory_space<hbm>>, %arg4: memref<320000xi32, #tpu.memory_space<hbm>>, %arg5: memref<640x64xf32, #tpu.memory_space<hbm>>, %arg6: memref<2x10240x64xf32, #tpu.memory_space<hbm>>, %arg7: memref<80xi32, #tpu.memory_space<vmem>>, %arg8: memref<80xi32, #tpu.memory_space<vmem>>, %arg9: memref<80x64xf32, #tpu.memory_space<vmem>>, %arg10: memref<10240x64xf32, #tpu.memory_space<vmem_shared>>, %arg11: memref<!tpu.dma_semaphore, #tpu.memory_space<semaphore_mem>>) attributes {dimension_semantics = [#tpu.dimension_semantics<core_parallel>, #tpu.dimension_semantics<subcore_parallel>], iteration_bounds = array<i64: 2, 16>, scalar_prefetch = 0 : i64, scratch_operands = 5 : i64, tpu.core_type = #tpu.core_type<sc_vector_subcore>, window_params = [{transform_indices = #map}, {transform_indices = #map1}, {transform_indices = #map1}, {transform_indices = #map}, {transform_indices = #map2}]} {
    %mul3A = arith.constant 16 : i32
    %mul3A_0 = arith.muli %arg0, %mul3A : i32
    %add3A = arith.addi %mul3A_0, %arg1 : i32
    %mul3A_1 = arith.constant 640 : i32
    %mul3A_2 = arith.muli %arg1, %mul3A_1 : i32
    "tpu.region"() ({
      %run_scoped3A = tpu.sem_alloc : memref<!tpu.dma_semaphore, #tpu.memory_space<semaphore_mem>>
      %dma_start3A = arith.constant 0 : i32
      %dma_start3A_13 = tpu.memref_slice %arg10[%mul3A_2, %dma_start3A] : memref<10240x64xf32, #tpu.memory_space<vmem_shared>> -> memref<640x64xf32, #tpu.memory_space<vmem_shared>>
      tpu.enqueue_dma source(%arg5 : memref<640x64xf32, #tpu.memory_space<hbm>>) target(%dma_start3A_13 : memref<640x64xf32, #tpu.memory_space<vmem_shared>>) target_semaphore(%run_scoped3A : memref<!tpu.dma_semaphore, #tpu.memory_space<semaphore_mem>>)
      %dma_wait3A = arith.constant 0 : i32
      %dma_wait3A_14 = tpu.memref_slice %arg10[%mul3A_2, %dma_wait3A] : memref<10240x64xf32, #tpu.memory_space<vmem_shared>> -> memref<640x64xf32, #tpu.memory_space<vmem_shared>>
      tpu.wait_dma2 semaphore(%run_scoped3A : memref<!tpu.dma_semaphore, #tpu.memory_space<semaphore_mem>>) src(%arg5 : memref<640x64xf32, #tpu.memory_space<hbm>>) dst(%dma_wait3A_14 : memref<640x64xf32, #tpu.memory_space<vmem_shared>>)
      tpu.yield
    }) : () -> ()
    %barrier3A = arith.constant 0 : index
    tpu.barrier barrier_id(%barrier3A)
    %scan3A = arith.constant 0 : i32
    %scan3A_3 = arith.constant 0 : i32
    %scan3A_4 = arith.constant 125 : i32
    %scan3A_5 = arith.addi %scan3A_3, %scan3A_4 : i32
    %scan3A_6 = arith.constant 1 : i32
    scf.for %scan3A_13 = %scan3A_3 to %scan3A_5 step %scan3A_6  : i32 {
      %mul3A_14 = arith.constant 10000 : i32
      %mul3A_15 = arith.muli %add3A, %mul3A_14 : i32
      %mul3A_16 = arith.constant 80 : i32
      %mul3A_17 = arith.muli %scan3A_13, %mul3A_16 : i32
      %add3A_18 = arith.addi %mul3A_15, %mul3A_17 : i32
      %multiple_of3A = tpu.assume_multiple %add3A_18, 8 : i32
      "tpu.region"() ({
        %run_scoped3A = tpu.sem_alloc : memref<!tpu.dma_semaphore, #tpu.memory_space<semaphore_mem>>
        %dma_start3A_23 = tpu.memref_slice %arg3[%multiple_of3A] : memref<320000xi32, #tpu.memory_space<hbm>> -> memref<80xi32, #tpu.memory_space<hbm>>
        %dma_start3A_24 = tpu.memref_slice %arg3[%multiple_of3A] : memref<320000xi32, #tpu.memory_space<hbm>> -> memref<80xi32, #tpu.memory_space<hbm>>
        tpu.enqueue_dma source(%dma_start3A_24 : memref<80xi32, #tpu.memory_space<hbm>>) target(%arg7 : memref<80xi32, #tpu.memory_space<vmem>>) target_semaphore(%run_scoped3A : memref<!tpu.dma_semaphore, #tpu.memory_space<semaphore_mem>>)
        %dma_wait3A_25 = tpu.memref_slice %arg3[%multiple_of3A] : memref<320000xi32, #tpu.memory_space<hbm>> -> memref<80xi32, #tpu.memory_space<hbm>>
        %dma_wait3A_26 = tpu.memref_slice %arg3[%multiple_of3A] : memref<320000xi32, #tpu.memory_space<hbm>> -> memref<80xi32, #tpu.memory_space<hbm>>
        tpu.wait_dma2 semaphore(%run_scoped3A : memref<!tpu.dma_semaphore, #tpu.memory_space<semaphore_mem>>) src(%dma_wait3A_26 : memref<80xi32, #tpu.memory_space<hbm>>) dst(%arg7 : memref<80xi32, #tpu.memory_space<vmem>>)
        tpu.yield
      }) : () -> ()
      "tpu.region"() ({
        %run_scoped3A = tpu.sem_alloc : memref<!tpu.dma_semaphore, #tpu.memory_space<semaphore_mem>>
        %dma_start3A_23 = tpu.memref_slice %arg4[%multiple_of3A] : memref<320000xi32, #tpu.memory_space<hbm>> -> memref<80xi32, #tpu.memory_space<hbm>>
        %dma_start3A_24 = tpu.memref_slice %arg4[%multiple_of3A] : memref<320000xi32, #tpu.memory_space<hbm>> -> memref<80xi32, #tpu.memory_space<hbm>>
        tpu.enqueue_dma source(%dma_start3A_24 : memref<80xi32, #tpu.memory_space<hbm>>) target(%arg8 : memref<80xi32, #tpu.memory_space<vmem>>) target_semaphore(%run_scoped3A : memref<!tpu.dma_semaphore, #tpu.memory_space<semaphore_mem>>)
        %dma_wait3A_25 = tpu.memref_slice %arg4[%multiple_of3A] : memref<320000xi32, #tpu.memory_space<hbm>> -> memref<80xi32, #tpu.memory_space<hbm>>
        %dma_wait3A_26 = tpu.memref_slice %arg4[%multiple_of3A] : memref<320000xi32, #tpu.memory_space<hbm>> -> memref<80xi32, #tpu.memory_space<hbm>>
        tpu.wait_dma2 semaphore(%run_scoped3A : memref<!tpu.dma_semaphore, #tpu.memory_space<semaphore_mem>>) src(%dma_wait3A_26 : memref<80xi32, #tpu.memory_space<hbm>>) dst(%arg8 : memref<80xi32, #tpu.memory_space<vmem>>)
        tpu.yield
      }) : () -> ()
      %dma_start3A = arith.constant 0 : i32
      %dma_start3A_19 = arith.constant 0 : i32
      %dma_start3A_20 = tpu.memref_slice %arg2[%dma_start3A, %dma_start3A_19] : memref<10000x64xf32, #tpu.memory_space<hbm>> -> memref<10000x64xf32, #tpu.memory_space<hbm>>
      tpu.enqueue_indirect_dma source(%dma_start3A_20 : memref<10000x64xf32, #tpu.memory_space<hbm>>) target(%arg9 : memref<80x64xf32, #tpu.memory_space<vmem>>) offsets(%arg7 : memref<80xi32, #tpu.memory_space<vmem>>) semaphore(%arg11 : memref<!tpu.dma_semaphore, #tpu.memory_space<semaphore_mem>>)
      %dma_wait3A = arith.constant 0 : i32
      %dma_wait3A_21 = arith.constant 0 : i32
      %dma_wait3A_22 = tpu.memref_slice %arg2[%dma_wait3A, %dma_wait3A_21] : memref<10000x64xf32, #tpu.memory_space<hbm>> -> memref<10000x64xf32, #tpu.memory_space<hbm>>
      tpu.wait_indirect_dma semaphore(%arg11 : memref<!tpu.dma_semaphore, #tpu.memory_space<semaphore_mem>>) src(%dma_wait3A_22 : memref<10000x64xf32, #tpu.memory_space<hbm>>) dst(%arg9 : memref<80x64xf32, #tpu.memory_space<vmem>>)
      "tpu.region"() ({
        %run_scoped3A = tpu.sem_alloc : memref<!tpu.dma_semaphore, #tpu.memory_space<semaphore_mem>>
        %dma_start3A_23 = arith.constant 0 : i32
        %dma_start3A_24 = arith.constant 0 : i32
        %dma_start3A_25 = tpu.memref_slice %arg10[%dma_start3A_23, %dma_start3A_24] : memref<10240x64xf32, #tpu.memory_space<vmem_shared>> -> memref<10240x64xf32, #tpu.memory_space<vmem_shared>>
        tpu.enqueue_indirect_dma source(%arg9 : memref<80x64xf32, #tpu.memory_space<vmem>>) target(%dma_start3A_25 : memref<10240x64xf32, #tpu.memory_space<vmem_shared>>) offsets(%arg8 : memref<80xi32, #tpu.memory_space<vmem>>) semaphore(%run_scoped3A : memref<!tpu.dma_semaphore, #tpu.memory_space<semaphore_mem>>) {add = true}
        %dma_wait3A_26 = arith.constant 0 : i32
        %dma_wait3A_27 = arith.constant 0 : i32
        %dma_wait3A_28 = tpu.memref_slice %arg10[%dma_wait3A_26, %dma_wait3A_27] : memref<10240x64xf32, #tpu.memory_space<vmem_shared>> -> memref<10240x64xf32, #tpu.memory_space<vmem_shared>>
        tpu.wait_indirect_dma semaphore(%run_scoped3A : memref<!tpu.dma_semaphore, #tpu.memory_space<semaphore_mem>>) src(%arg9 : memref<80x64xf32, #tpu.memory_space<vmem>>) dst(%dma_wait3A_28 : memref<10240x64xf32, #tpu.memory_space<vmem_shared>>)
        tpu.yield
      }) : () -> ()
    }
    %scan3A_7 = arith.constant 125 : i32
    %barrier3A_8 = arith.constant 0 : index
    tpu.barrier barrier_id(%barrier3A_8)
    %mul3A_9 = arith.constant 640 : i32
    %mul3A_10 = arith.muli %arg1, %mul3A_9 : i32
    %mul3A_11 = arith.constant 640 : i32
    %mul3A_12 = arith.muli %arg1, %mul3A_11 : i32
    "tpu.region"() ({
      %run_scoped3A = tpu.sem_alloc : memref<!tpu.dma_semaphore, #tpu.memory_space<semaphore_mem>>
      %dma_start3A = arith.constant 0 : i32
      %dma_start3A_13 = tpu.memref_slice %arg6[%arg0, %mul3A_12, %dma_start3A] : memref<2x10240x64xf32, #tpu.memory_space<hbm>> -> memref<1x640x64xf32, #tpu.memory_space<hbm>>
      %dma_start3A_14 = tpu.memref_squeeze %dma_start3A_13 : memref<1x640x64xf32, #tpu.memory_space<hbm>> -> memref<640x64xf32, #tpu.memory_space<hbm>>
      %dma_start3A_15 = arith.constant 0 : i32
      %dma_start3A_16 = tpu.memref_slice %arg10[%mul3A_10, %dma_start3A_15] : memref<10240x64xf32, #tpu.memory_space<vmem_shared>> -> memref<640x64xf32, #tpu.memory_space<vmem_shared>>
      tpu.enqueue_dma source(%dma_start3A_16 : memref<640x64xf32, #tpu.memory_space<vmem_shared>>) target(%dma_start3A_14 : memref<640x64xf32, #tpu.memory_space<hbm>>) target_semaphore(%run_scoped3A : memref<!tpu.dma_semaphore, #tpu.memory_space<semaphore_mem>>)
      %dma_wait3A = arith.constant 0 : i32
      %dma_wait3A_17 = tpu.memref_slice %arg6[%arg0, %mul3A_12, %dma_wait3A] : memref<2x10240x64xf32, #tpu.memory_space<hbm>> -> memref<1x640x64xf32, #tpu.memory_space<hbm>>
      %dma_wait3A_18 = tpu.memref_squeeze %dma_wait3A_17 : memref<1x640x64xf32, #tpu.memory_space<hbm>> -> memref<640x64xf32, #tpu.memory_space<hbm>>
      %dma_wait3A_19 = arith.constant 0 : i32
      %dma_wait3A_20 = tpu.memref_slice %arg10[%mul3A_10, %dma_wait3A_19] : memref<10240x64xf32, #tpu.memory_space<vmem_shared>> -> memref<640x64xf32, #tpu.memory_space<vmem_shared>>
      tpu.wait_dma2 semaphore(%run_scoped3A : memref<!tpu.dma_semaphore, #tpu.memory_space<semaphore_mem>>) src(%dma_wait3A_20 : memref<640x64xf32, #tpu.memory_space<vmem_shared>>) dst(%dma_wait3A_18 : memref<640x64xf32, #tpu.memory_space<hbm>>)
      tpu.yield
    }) : () -> ()
    return
  }
}

#map = affine_map<(d0, d1) -> (0, 0)>
#map1 = affine_map<(d0, d1) -> (0)>
#map2 = affine_map<(d0, d1) -> (0, 0, 0)>
module attributes {stable_mosaic.version = 14 : i64} {
  func.func @_segsum_sc(%arg0: i32, %arg1: i32, %arg2: memref<10000x64xf32, #tpu.memory_space<hbm>>, %arg3: memref<320000xi32, #tpu.memory_space<hbm>>, %arg4: memref<320000xi32, #tpu.memory_space<hbm>>, %arg5: memref<640x64xf32, #tpu.memory_space<hbm>>, %arg6: memref<2x10240x64xf32, #tpu.memory_space<hbm>>, %arg7: memref<80xi32, #tpu.memory_space<vmem>>, %arg8: memref<80xi32, #tpu.memory_space<vmem>>, %arg9: memref<80x64xf32, #tpu.memory_space<vmem>>, %arg10: memref<10240x64xf32, #tpu.memory_space<vmem_shared>>, %arg11: memref<!tpu.dma_semaphore, #tpu.memory_space<semaphore_mem>>) attributes {dimension_semantics = [#tpu.dimension_semantics<core_parallel>, #tpu.dimension_semantics<subcore_parallel>], iteration_bounds = array<i64: 2, 16>, scalar_prefetch = 0 : i64, scratch_operands = 5 : i64, tpu.core_type = #tpu.core_type<sc_vector_subcore>, window_params = [{transform_indices = #map}, {transform_indices = #map1}, {transform_indices = #map1}, {transform_indices = #map}, {transform_indices = #map2}]} {
    %mul3A = arith.constant 16 : i32
    %mul3A_0 = arith.muli %arg0, %mul3A : i32
    %add3A = arith.addi %mul3A_0, %arg1 : i32
    %mul3A_1 = arith.constant 640 : i32
    %mul3A_2 = arith.muli %arg1, %mul3A_1 : i32
    "tpu.region"() ({
      %run_scoped3A = tpu.sem_alloc : memref<!tpu.dma_semaphore, #tpu.memory_space<semaphore_mem>>
      %dma_start3A = arith.constant 0 : i32
      %dma_start3A_13 = tpu.memref_slice %arg10[%mul3A_2, %dma_start3A] : memref<10240x64xf32, #tpu.memory_space<vmem_shared>> -> memref<640x64xf32, #tpu.memory_space<vmem_shared>>
      tpu.enqueue_dma source(%arg5 : memref<640x64xf32, #tpu.memory_space<hbm>>) target(%dma_start3A_13 : memref<640x64xf32, #tpu.memory_space<vmem_shared>>) target_semaphore(%run_scoped3A : memref<!tpu.dma_semaphore, #tpu.memory_space<semaphore_mem>>)
      %dma_wait3A = arith.constant 0 : i32
      %dma_wait3A_14 = tpu.memref_slice %arg10[%mul3A_2, %dma_wait3A] : memref<10240x64xf32, #tpu.memory_space<vmem_shared>> -> memref<640x64xf32, #tpu.memory_space<vmem_shared>>
      tpu.wait_dma2 semaphore(%run_scoped3A : memref<!tpu.dma_semaphore, #tpu.memory_space<semaphore_mem>>) src(%arg5 : memref<640x64xf32, #tpu.memory_space<hbm>>) dst(%dma_wait3A_14 : memref<640x64xf32, #tpu.memory_space<vmem_shared>>)
      tpu.yield
    }) : () -> ()
    %barrier3A = arith.constant 0 : index
    tpu.barrier barrier_id(%barrier3A)
    %scan3A = arith.constant 0 : i32
    %scan3A_3 = arith.constant 0 : i32
    %scan3A_4 = arith.constant 125 : i32
    %scan3A_5 = arith.addi %scan3A_3, %scan3A_4 : i32
    %scan3A_6 = arith.constant 1 : i32
    scf.for %scan3A_13 = %scan3A_3 to %scan3A_5 step %scan3A_6  : i32 {
      %mul3A_14 = arith.constant 10000 : i32
      %mul3A_15 = arith.muli %add3A, %mul3A_14 : i32
      %mul3A_16 = arith.constant 80 : i32
      %mul3A_17 = arith.muli %scan3A_13, %mul3A_16 : i32
      %add3A_18 = arith.addi %mul3A_15, %mul3A_17 : i32
      %multiple_of3A = tpu.assume_multiple %add3A_18, 8 : i32
      "tpu.region"() ({
        %run_scoped3A = tpu.sem_alloc : memref<!tpu.dma_semaphore, #tpu.memory_space<semaphore_mem>>
        %dma_start3A_23 = tpu.memref_slice %arg3[%multiple_of3A] : memref<320000xi32, #tpu.memory_space<hbm>> -> memref<80xi32, #tpu.memory_space<hbm>>
        %dma_start3A_24 = tpu.memref_slice %arg3[%multiple_of3A] : memref<320000xi32, #tpu.memory_space<hbm>> -> memref<80xi32, #tpu.memory_space<hbm>>
        tpu.enqueue_dma source(%dma_start3A_24 : memref<80xi32, #tpu.memory_space<hbm>>) target(%arg7 : memref<80xi32, #tpu.memory_space<vmem>>) target_semaphore(%run_scoped3A : memref<!tpu.dma_semaphore, #tpu.memory_space<semaphore_mem>>)
        %dma_wait3A_25 = tpu.memref_slice %arg3[%multiple_of3A] : memref<320000xi32, #tpu.memory_space<hbm>> -> memref<80xi32, #tpu.memory_space<hbm>>
        %dma_wait3A_26 = tpu.memref_slice %arg3[%multiple_of3A] : memref<320000xi32, #tpu.memory_space<hbm>> -> memref<80xi32, #tpu.memory_space<hbm>>
        tpu.wait_dma2 semaphore(%run_scoped3A : memref<!tpu.dma_semaphore, #tpu.memory_space<semaphore_mem>>) src(%dma_wait3A_26 : memref<80xi32, #tpu.memory_space<hbm>>) dst(%arg7 : memref<80xi32, #tpu.memory_space<vmem>>)
        tpu.yield
      }) : () -> ()
      "tpu.region"() ({
        %run_scoped3A = tpu.sem_alloc : memref<!tpu.dma_semaphore, #tpu.memory_space<semaphore_mem>>
        %dma_start3A_23 = tpu.memref_slice %arg4[%multiple_of3A] : memref<320000xi32, #tpu.memory_space<hbm>> -> memref<80xi32, #tpu.memory_space<hbm>>
        %dma_start3A_24 = tpu.memref_slice %arg4[%multiple_of3A] : memref<320000xi32, #tpu.memory_space<hbm>> -> memref<80xi32, #tpu.memory_space<hbm>>
        tpu.enqueue_dma source(%dma_start3A_24 : memref<80xi32, #tpu.memory_space<hbm>>) target(%arg8 : memref<80xi32, #tpu.memory_space<vmem>>) target_semaphore(%run_scoped3A : memref<!tpu.dma_semaphore, #tpu.memory_space<semaphore_mem>>)
        %dma_wait3A_25 = tpu.memref_slice %arg4[%multiple_of3A] : memref<320000xi32, #tpu.memory_space<hbm>> -> memref<80xi32, #tpu.memory_space<hbm>>
        %dma_wait3A_26 = tpu.memref_slice %arg4[%multiple_of3A] : memref<320000xi32, #tpu.memory_space<hbm>> -> memref<80xi32, #tpu.memory_space<hbm>>
        tpu.wait_dma2 semaphore(%run_scoped3A : memref<!tpu.dma_semaphore, #tpu.memory_space<semaphore_mem>>) src(%dma_wait3A_26 : memref<80xi32, #tpu.memory_space<hbm>>) dst(%arg8 : memref<80xi32, #tpu.memory_space<vmem>>)
        tpu.yield
      }) : () -> ()
      %dma_start3A = arith.constant 0 : i32
      %dma_start3A_19 = arith.constant 0 : i32
      %dma_start3A_20 = tpu.memref_slice %arg2[%dma_start3A, %dma_start3A_19] : memref<10000x64xf32, #tpu.memory_space<hbm>> -> memref<10000x64xf32, #tpu.memory_space<hbm>>
      tpu.enqueue_indirect_dma source(%dma_start3A_20 : memref<10000x64xf32, #tpu.memory_space<hbm>>) target(%arg9 : memref<80x64xf32, #tpu.memory_space<vmem>>) offsets(%arg7 : memref<80xi32, #tpu.memory_space<vmem>>) semaphore(%arg11 : memref<!tpu.dma_semaphore, #tpu.memory_space<semaphore_mem>>)
      %dma_wait3A = arith.constant 0 : i32
      %dma_wait3A_21 = arith.constant 0 : i32
      %dma_wait3A_22 = tpu.memref_slice %arg2[%dma_wait3A, %dma_wait3A_21] : memref<10000x64xf32, #tpu.memory_space<hbm>> -> memref<10000x64xf32, #tpu.memory_space<hbm>>
      tpu.wait_indirect_dma semaphore(%arg11 : memref<!tpu.dma_semaphore, #tpu.memory_space<semaphore_mem>>) src(%dma_wait3A_22 : memref<10000x64xf32, #tpu.memory_space<hbm>>) dst(%arg9 : memref<80x64xf32, #tpu.memory_space<vmem>>)
      "tpu.region"() ({
        %run_scoped3A = tpu.sem_alloc : memref<!tpu.dma_semaphore, #tpu.memory_space<semaphore_mem>>
        %dma_start3A_23 = arith.constant 0 : i32
        %dma_start3A_24 = arith.constant 0 : i32
        %dma_start3A_25 = tpu.memref_slice %arg10[%dma_start3A_23, %dma_start3A_24] : memref<10240x64xf32, #tpu.memory_space<vmem_shared>> -> memref<10240x64xf32, #tpu.memory_space<vmem_shared>>
        tpu.enqueue_indirect_dma source(%arg9 : memref<80x64xf32, #tpu.memory_space<vmem>>) target(%dma_start3A_25 : memref<10240x64xf32, #tpu.memory_space<vmem_shared>>) offsets(%arg8 : memref<80xi32, #tpu.memory_space<vmem>>) semaphore(%run_scoped3A : memref<!tpu.dma_semaphore, #tpu.memory_space<semaphore_mem>>) {add = true}
        %dma_wait3A_26 = arith.constant 0 : i32
        %dma_wait3A_27 = arith.constant 0 : i32
        %dma_wait3A_28 = tpu.memref_slice %arg10[%dma_wait3A_26, %dma_wait3A_27] : memref<10240x64xf32, #tpu.memory_space<vmem_shared>> -> memref<10240x64xf32, #tpu.memory_space<vmem_shared>>
        tpu.wait_indirect_dma semaphore(%run_scoped3A : memref<!tpu.dma_semaphore, #tpu.memory_space<semaphore_mem>>) src(%arg9 : memref<80x64xf32, #tpu.memory_space<vmem>>) dst(%dma_wait3A_28 : memref<10240x64xf32, #tpu.memory_space<vmem_shared>>)
        tpu.yield
      }) : () -> ()
    }
    %scan3A_7 = arith.constant 125 : i32
    %barrier3A_8 = arith.constant 0 : index
    tpu.barrier barrier_id(%barrier3A_8)
    %mul3A_9 = arith.constant 640 : i32
    %mul3A_10 = arith.muli %arg1, %mul3A_9 : i32
    %mul3A_11 = arith.constant 640 : i32
    %mul3A_12 = arith.muli %arg1, %mul3A_11 : i32
    "tpu.region"() ({
      %run_scoped3A = tpu.sem_alloc : memref<!tpu.dma_semaphore, #tpu.memory_space<semaphore_mem>>
      %dma_start3A = arith.constant 0 : i32
      %dma_start3A_13 = tpu.memref_slice %arg6[%arg0, %mul3A_12, %dma_start3A] : memref<2x10240x64xf32, #tpu.memory_space<hbm>> -> memref<1x640x64xf32, #tpu.memory_space<hbm>>
      %dma_start3A_14 = tpu.memref_squeeze %dma_start3A_13 : memref<1x640x64xf32, #tpu.memory_space<hbm>> -> memref<640x64xf32, #tpu.memory_space<hbm>>
      %dma_start3A_15 = arith.constant 0 : i32
      %dma_start3A_16 = tpu.memref_slice %arg10[%mul3A_10, %dma_start3A_15] : memref<10240x64xf32, #tpu.memory_space<vmem_shared>> -> memref<640x64xf32, #tpu.memory_space<vmem_shared>>
      tpu.enqueue_dma source(%dma_start3A_16 : memref<640x64xf32, #tpu.memory_space<vmem_shared>>) target(%dma_start3A_14 : memref<640x64xf32, #tpu.memory_space<hbm>>) target_semaphore(%run_scoped3A : memref<!tpu.dma_semaphore, #tpu.memory_space<semaphore_mem>>)
      %dma_wait3A = arith.constant 0 : i32
      %dma_wait3A_17 = tpu.memref_slice %arg6[%arg0, %mul3A_12, %dma_wait3A] : memref<2x10240x64xf32, #tpu.memory_space<hbm>> -> memref<1x640x64xf32, #tpu.memory_space<hbm>>
      %dma_wait3A_18 = tpu.memref_squeeze %dma_wait3A_17 : memref<1x640x64xf32, #tpu.memory_space<hbm>> -> memref<640x64xf32, #tpu.memory_space<hbm>>
      %dma_wait3A_19 = arith.constant 0 : i32
      %dma_wait3A_20 = tpu.memref_slice %arg10[%mul3A_10, %dma_wait3A_19] : memref<10240x64xf32, #tpu.memory_space<vmem_shared>> -> memref<640x64xf32, #tpu.memory_space<vmem_shared>>
      tpu.wait_dma2 semaphore(%run_scoped3A : memref<!tpu.dma_semaphore, #tpu.memory_space<semaphore_mem>>) src(%dma_wait3A_20 : memref<640x64xf32, #tpu.memory_space<vmem_shared>>) dst(%dma_wait3A_18 : memref<640x64xf32, #tpu.memory_space<hbm>>)
      tpu.yield
    }) : () -> ()
    return
  }
}

#map = affine_map<(d0, d1) -> (0, 0)>
#map1 = affine_map<(d0, d1) -> (0)>
#map2 = affine_map<(d0, d1) -> (0, 0, 0)>
module attributes {stable_mosaic.version = 14 : i64} {
  func.func @_segsum_sc(%arg0: i32, %arg1: i32, %arg2: memref<10000x64xf32, #tpu.memory_space<hbm>>, %arg3: memref<320000xi32, #tpu.memory_space<hbm>>, %arg4: memref<320000xi32, #tpu.memory_space<hbm>>, %arg5: memref<640x64xf32, #tpu.memory_space<hbm>>, %arg6: memref<2x10240x64xf32, #tpu.memory_space<hbm>>, %arg7: memref<80xi32, #tpu.memory_space<vmem>>, %arg8: memref<80xi32, #tpu.memory_space<vmem>>, %arg9: memref<80x64xf32, #tpu.memory_space<vmem>>, %arg10: memref<10240x64xf32, #tpu.memory_space<vmem_shared>>, %arg11: memref<!tpu.dma_semaphore, #tpu.memory_space<semaphore_mem>>) attributes {dimension_semantics = [#tpu.dimension_semantics<core_parallel>, #tpu.dimension_semantics<subcore_parallel>], iteration_bounds = array<i64: 2, 16>, scalar_prefetch = 0 : i64, scratch_operands = 5 : i64, tpu.core_type = #tpu.core_type<sc_vector_subcore>, window_params = [{transform_indices = #map}, {transform_indices = #map1}, {transform_indices = #map1}, {transform_indices = #map}, {transform_indices = #map2}]} {
    %mul3A = arith.constant 16 : i32
    %mul3A_0 = arith.muli %arg0, %mul3A : i32
    %add3A = arith.addi %mul3A_0, %arg1 : i32
    %mul3A_1 = arith.constant 640 : i32
    %mul3A_2 = arith.muli %arg1, %mul3A_1 : i32
    "tpu.region"() ({
      %run_scoped3A = tpu.sem_alloc : memref<!tpu.dma_semaphore, #tpu.memory_space<semaphore_mem>>
      %dma_start3A = arith.constant 0 : i32
      %dma_start3A_13 = tpu.memref_slice %arg10[%mul3A_2, %dma_start3A] : memref<10240x64xf32, #tpu.memory_space<vmem_shared>> -> memref<640x64xf32, #tpu.memory_space<vmem_shared>>
      tpu.enqueue_dma source(%arg5 : memref<640x64xf32, #tpu.memory_space<hbm>>) target(%dma_start3A_13 : memref<640x64xf32, #tpu.memory_space<vmem_shared>>) target_semaphore(%run_scoped3A : memref<!tpu.dma_semaphore, #tpu.memory_space<semaphore_mem>>)
      %dma_wait3A = arith.constant 0 : i32
      %dma_wait3A_14 = tpu.memref_slice %arg10[%mul3A_2, %dma_wait3A] : memref<10240x64xf32, #tpu.memory_space<vmem_shared>> -> memref<640x64xf32, #tpu.memory_space<vmem_shared>>
      tpu.wait_dma2 semaphore(%run_scoped3A : memref<!tpu.dma_semaphore, #tpu.memory_space<semaphore_mem>>) src(%arg5 : memref<640x64xf32, #tpu.memory_space<hbm>>) dst(%dma_wait3A_14 : memref<640x64xf32, #tpu.memory_space<vmem_shared>>)
      tpu.yield
    }) : () -> ()
    %barrier3A = arith.constant 0 : index
    tpu.barrier barrier_id(%barrier3A)
    %scan3A = arith.constant 0 : i32
    %scan3A_3 = arith.constant 0 : i32
    %scan3A_4 = arith.constant 125 : i32
    %scan3A_5 = arith.addi %scan3A_3, %scan3A_4 : i32
    %scan3A_6 = arith.constant 1 : i32
    scf.for %scan3A_13 = %scan3A_3 to %scan3A_5 step %scan3A_6  : i32 {
      %mul3A_14 = arith.constant 10000 : i32
      %mul3A_15 = arith.muli %add3A, %mul3A_14 : i32
      %mul3A_16 = arith.constant 80 : i32
      %mul3A_17 = arith.muli %scan3A_13, %mul3A_16 : i32
      %add3A_18 = arith.addi %mul3A_15, %mul3A_17 : i32
      %multiple_of3A = tpu.assume_multiple %add3A_18, 8 : i32
      "tpu.region"() ({
        %run_scoped3A = tpu.sem_alloc : memref<!tpu.dma_semaphore, #tpu.memory_space<semaphore_mem>>
        %dma_start3A_23 = tpu.memref_slice %arg3[%multiple_of3A] : memref<320000xi32, #tpu.memory_space<hbm>> -> memref<80xi32, #tpu.memory_space<hbm>>
        %dma_start3A_24 = tpu.memref_slice %arg3[%multiple_of3A] : memref<320000xi32, #tpu.memory_space<hbm>> -> memref<80xi32, #tpu.memory_space<hbm>>
        tpu.enqueue_dma source(%dma_start3A_24 : memref<80xi32, #tpu.memory_space<hbm>>) target(%arg7 : memref<80xi32, #tpu.memory_space<vmem>>) target_semaphore(%run_scoped3A : memref<!tpu.dma_semaphore, #tpu.memory_space<semaphore_mem>>)
        %dma_wait3A_25 = tpu.memref_slice %arg3[%multiple_of3A] : memref<320000xi32, #tpu.memory_space<hbm>> -> memref<80xi32, #tpu.memory_space<hbm>>
        %dma_wait3A_26 = tpu.memref_slice %arg3[%multiple_of3A] : memref<320000xi32, #tpu.memory_space<hbm>> -> memref<80xi32, #tpu.memory_space<hbm>>
        tpu.wait_dma2 semaphore(%run_scoped3A : memref<!tpu.dma_semaphore, #tpu.memory_space<semaphore_mem>>) src(%dma_wait3A_26 : memref<80xi32, #tpu.memory_space<hbm>>) dst(%arg7 : memref<80xi32, #tpu.memory_space<vmem>>)
        tpu.yield
      }) : () -> ()
      "tpu.region"() ({
        %run_scoped3A = tpu.sem_alloc : memref<!tpu.dma_semaphore, #tpu.memory_space<semaphore_mem>>
        %dma_start3A_23 = tpu.memref_slice %arg4[%multiple_of3A] : memref<320000xi32, #tpu.memory_space<hbm>> -> memref<80xi32, #tpu.memory_space<hbm>>
        %dma_start3A_24 = tpu.memref_slice %arg4[%multiple_of3A] : memref<320000xi32, #tpu.memory_space<hbm>> -> memref<80xi32, #tpu.memory_space<hbm>>
        tpu.enqueue_dma source(%dma_start3A_24 : memref<80xi32, #tpu.memory_space<hbm>>) target(%arg8 : memref<80xi32, #tpu.memory_space<vmem>>) target_semaphore(%run_scoped3A : memref<!tpu.dma_semaphore, #tpu.memory_space<semaphore_mem>>)
        %dma_wait3A_25 = tpu.memref_slice %arg4[%multiple_of3A] : memref<320000xi32, #tpu.memory_space<hbm>> -> memref<80xi32, #tpu.memory_space<hbm>>
        %dma_wait3A_26 = tpu.memref_slice %arg4[%multiple_of3A] : memref<320000xi32, #tpu.memory_space<hbm>> -> memref<80xi32, #tpu.memory_space<hbm>>
        tpu.wait_dma2 semaphore(%run_scoped3A : memref<!tpu.dma_semaphore, #tpu.memory_space<semaphore_mem>>) src(%dma_wait3A_26 : memref<80xi32, #tpu.memory_space<hbm>>) dst(%arg8 : memref<80xi32, #tpu.memory_space<vmem>>)
        tpu.yield
      }) : () -> ()
      %dma_start3A = arith.constant 0 : i32
      %dma_start3A_19 = arith.constant 0 : i32
      %dma_start3A_20 = tpu.memref_slice %arg2[%dma_start3A, %dma_start3A_19] : memref<10000x64xf32, #tpu.memory_space<hbm>> -> memref<10000x64xf32, #tpu.memory_space<hbm>>
      tpu.enqueue_indirect_dma source(%dma_start3A_20 : memref<10000x64xf32, #tpu.memory_space<hbm>>) target(%arg9 : memref<80x64xf32, #tpu.memory_space<vmem>>) offsets(%arg7 : memref<80xi32, #tpu.memory_space<vmem>>) semaphore(%arg11 : memref<!tpu.dma_semaphore, #tpu.memory_space<semaphore_mem>>)
      %dma_wait3A = arith.constant 0 : i32
      %dma_wait3A_21 = arith.constant 0 : i32
      %dma_wait3A_22 = tpu.memref_slice %arg2[%dma_wait3A, %dma_wait3A_21] : memref<10000x64xf32, #tpu.memory_space<hbm>> -> memref<10000x64xf32, #tpu.memory_space<hbm>>
      tpu.wait_indirect_dma semaphore(%arg11 : memref<!tpu.dma_semaphore, #tpu.memory_space<semaphore_mem>>) src(%dma_wait3A_22 : memref<10000x64xf32, #tpu.memory_space<hbm>>) dst(%arg9 : memref<80x64xf32, #tpu.memory_space<vmem>>)
      "tpu.region"() ({
        %run_scoped3A = tpu.sem_alloc : memref<!tpu.dma_semaphore, #tpu.memory_space<semaphore_mem>>
        %dma_start3A_23 = arith.constant 0 : i32
        %dma_start3A_24 = arith.constant 0 : i32
        %dma_start3A_25 = tpu.memref_slice %arg10[%dma_start3A_23, %dma_start3A_24] : memref<10240x64xf32, #tpu.memory_space<vmem_shared>> -> memref<10240x64xf32, #tpu.memory_space<vmem_shared>>
        tpu.enqueue_indirect_dma source(%arg9 : memref<80x64xf32, #tpu.memory_space<vmem>>) target(%dma_start3A_25 : memref<10240x64xf32, #tpu.memory_space<vmem_shared>>) offsets(%arg8 : memref<80xi32, #tpu.memory_space<vmem>>) semaphore(%run_scoped3A : memref<!tpu.dma_semaphore, #tpu.memory_space<semaphore_mem>>) {add = true}
        %dma_wait3A_26 = arith.constant 0 : i32
        %dma_wait3A_27 = arith.constant 0 : i32
        %dma_wait3A_28 = tpu.memref_slice %arg10[%dma_wait3A_26, %dma_wait3A_27] : memref<10240x64xf32, #tpu.memory_space<vmem_shared>> -> memref<10240x64xf32, #tpu.memory_space<vmem_shared>>
        tpu.wait_indirect_dma semaphore(%run_scoped3A : memref<!tpu.dma_semaphore, #tpu.memory_space<semaphore_mem>>) src(%arg9 : memref<80x64xf32, #tpu.memory_space<vmem>>) dst(%dma_wait3A_28 : memref<10240x64xf32, #tpu.memory_space<vmem_shared>>)
        tpu.yield
      }) : () -> ()
    }
    %scan3A_7 = arith.constant 125 : i32
    %barrier3A_8 = arith.constant 0 : index
    tpu.barrier barrier_id(%barrier3A_8)
    %mul3A_9 = arith.constant 640 : i32
    %mul3A_10 = arith.muli %arg1, %mul3A_9 : i32
    %mul3A_11 = arith.constant 640 : i32
    %mul3A_12 = arith.muli %arg1, %mul3A_11 : i32
    "tpu.region"() ({
      %run_scoped3A = tpu.sem_alloc : memref<!tpu.dma_semaphore, #tpu.memory_space<semaphore_mem>>
      %dma_start3A = arith.constant 0 : i32
      %dma_start3A_13 = tpu.memref_slice %arg6[%arg0, %mul3A_12, %dma_start3A] : memref<2x10240x64xf32, #tpu.memory_space<hbm>> -> memref<1x640x64xf32, #tpu.memory_space<hbm>>
      %dma_start3A_14 = tpu.memref_squeeze %dma_start3A_13 : memref<1x640x64xf32, #tpu.memory_space<hbm>> -> memref<640x64xf32, #tpu.memory_space<hbm>>
      %dma_start3A_15 = arith.constant 0 : i32
      %dma_start3A_16 = tpu.memref_slice %arg10[%mul3A_10, %dma_start3A_15] : memref<10240x64xf32, #tpu.memory_space<vmem_shared>> -> memref<640x64xf32, #tpu.memory_space<vmem_shared>>
      tpu.enqueue_dma source(%dma_start3A_16 : memref<640x64xf32, #tpu.memory_space<vmem_shared>>) target(%dma_start3A_14 : memref<640x64xf32, #tpu.memory_space<hbm>>) target_semaphore(%run_scoped3A : memref<!tpu.dma_semaphore, #tpu.memory_space<semaphore_mem>>)
      %dma_wait3A = arith.constant 0 : i32
      %dma_wait3A_17 = tpu.memref_slice %arg6[%arg0, %mul3A_12, %dma_wait3A] : memref<2x10240x64xf32, #tpu.memory_space<hbm>> -> memref<1x640x64xf32, #tpu.memory_space<hbm>>
      %dma_wait3A_18 = tpu.memref_squeeze %dma_wait3A_17 : memref<1x640x64xf32, #tpu.memory_space<hbm>> -> memref<640x64xf32, #tpu.memory_space<hbm>>
      %dma_wait3A_19 = arith.constant 0 : i32
      %dma_wait3A_20 = tpu.memref_slice %arg10[%mul3A_10, %dma_wait3A_19] : memref<10240x64xf32, #tpu.memory_space<vmem_shared>> -> memref<640x64xf32, #tpu.memory_space<vmem_shared>>
      tpu.wait_dma2 semaphore(%run_scoped3A : memref<!tpu.dma_semaphore, #tpu.memory_space<semaphore_mem>>) src(%dma_wait3A_20 : memref<640x64xf32, #tpu.memory_space<vmem_shared>>) dst(%dma_wait3A_18 : memref<640x64xf32, #tpu.memory_space<hbm>>)
      tpu.yield
    }) : () -> ()
    return
  }
}

module attributes {stable_mosaic.version = 14 : i64} {
  func.func @_tc_first(%arg0: memref<10000x128xf32, #tpu.memory_space<vmem>>, %arg1: memref<128x64xf32, #tpu.memory_space<vmem>>, %arg2: memref<1x64xf32, #tpu.memory_space<vmem>>, %arg3: memref<128x64xf32, #tpu.memory_space<vmem>>, %arg4: memref<10000x64xf32, #tpu.memory_space<vmem>>, %arg5: memref<10000x64xf32, #tpu.memory_space<vmem>>) attributes {dimension_semantics = [], scalar_prefetch = 0 : i64, scratch_operands = 0 : i64, tpu.core_type = #tpu.core_type<tc>} {
    %get3A = arith.constant 0 : index
    %get3A_0 = arith.constant 0 : index
    %get3A_1 = vector.load %arg0[%get3A, %get3A_0] : memref<10000x128xf32, #tpu.memory_space<vmem>>, vector<10000x128xf32>
    %get3A_2 = arith.constant 0 : index
    %get3A_3 = arith.constant 0 : index
    %get3A_4 = vector.load %arg1[%get3A_2, %get3A_3] : memref<128x64xf32, #tpu.memory_space<vmem>>, vector<128x64xf32>
    %dot_general3A = arith.constant dense<0.000000e+00> : vector<10000x64xf32>
    %dot_general3A_5 = tpu.matmul %get3A_1, %get3A_4, %dot_general3A {dimension_numbers = #tpu.dot_dimension_numbers<[1], [0], [0], [1], [0, 0, 1, 1], [], []>, transpose_lhs_hint = false} : vector<10000x128xf32>, vector<128x64xf32>, vector<10000x64xf32> -> vector<10000x64xf32>
    %swap3A = arith.constant 0 : index
    %swap3A_6 = arith.constant 0 : index
    %swap3A_7 = vector.load %arg4[%swap3A, %swap3A_6] : memref<10000x64xf32, #tpu.memory_space<vmem>>, vector<10000x64xf32>
    tpu.vector_store %arg4[%swap3A, %swap3A_6], %dot_general3A_5 {strides = array<i32>} : memref<10000x64xf32, #tpu.memory_space<vmem>>, vector<10000x64xf32>,
    %get3A_8 = arith.constant 0 : index
    %get3A_9 = arith.constant 0 : index
    %get3A_10 = vector.load %arg3[%get3A_8, %get3A_9] : memref<128x64xf32, #tpu.memory_space<vmem>>, vector<128x64xf32>
    %dot_general3A_11 = arith.constant dense<0.000000e+00> : vector<10000x64xf32>
    %dot_general3A_12 = tpu.matmul %get3A_1, %get3A_10, %dot_general3A_11 {dimension_numbers = #tpu.dot_dimension_numbers<[1], [0], [0], [1], [0, 0, 1, 1], [], []>, transpose_lhs_hint = false} : vector<10000x128xf32>, vector<128x64xf32>, vector<10000x64xf32> -> vector<10000x64xf32>
    %get3A_13 = arith.constant 0 : index
    %get3A_14 = arith.constant 0 : index
    %get3A_15 = vector.load %arg2[%get3A_13, %get3A_14] : memref<1x64xf32, #tpu.memory_space<vmem>>, vector<1x64xf32>
    %add3A = vector.broadcast %get3A_15 : vector<1x64xf32> to vector<10000x64xf32>
    %add3A_16 = arith.addf %dot_general3A_12, %add3A : vector<10000x64xf32>
    %swap3A_17 = arith.constant 0 : index
    %swap3A_18 = arith.constant 0 : index
    %swap3A_19 = vector.load %arg5[%swap3A_17, %swap3A_18] : memref<10000x64xf32, #tpu.memory_space<vmem>>, vector<10000x64xf32>
    tpu.vector_store %arg5[%swap3A_17, %swap3A_18], %add3A_16 {strides = array<i32>} : memref<10000x64xf32, #tpu.memory_space<vmem>>, vector<10000x64xf32>,
    return
  }
}

module attributes {stable_mosaic.version = 14 : i64} {
  func.func @_tc_mid(%arg0: memref<2x10240x64xf32, #tpu.memory_space<vmem>>, %arg1: memref<10000x64xf32, #tpu.memory_space<vmem>>, %arg2: memref<64x64xf32, #tpu.memory_space<vmem>>, %arg3: memref<1x64xf32, #tpu.memory_space<vmem>>, %arg4: memref<64x64xf32, #tpu.memory_space<vmem>>, %arg5: memref<10000x64xf32, #tpu.memory_space<vmem>>, %arg6: memref<10000x64xf32, #tpu.memory_space<vmem>>) attributes {dimension_semantics = [], scalar_prefetch = 0 : i64, scratch_operands = 0 : i64, tpu.core_type = #tpu.core_type<tc>} {
    %get3A = arith.constant 0 : index
    %get3A_0 = arith.constant 0 : index
    %get3A_1 = arith.constant 0 : index
    %get3A_2 = vector.load %arg0[%get3A, %get3A_0, %get3A_1] : memref<2x10240x64xf32, #tpu.memory_space<vmem>>, vector<2x10240x64xf32>
    %slice3A = vector.extract_strided_slice %get3A_2 {offsets = [0, 0, 0], sizes = [1, 10000, 64], strides = [1, 1, 1]} : vector<2x10240x64xf32> to vector<1x10000x64xf32>
    %squeeze3A = vector.shape_cast %slice3A : vector<1x10000x64xf32> to vector<10000x64xf32>
    %slice3A_3 = vector.extract_strided_slice %get3A_2 {offsets = [1, 0, 0], sizes = [1, 10000, 64], strides = [1, 1, 1]} : vector<2x10240x64xf32> to vector<1x10000x64xf32>
    %squeeze3A_4 = vector.shape_cast %slice3A_3 : vector<1x10000x64xf32> to vector<10000x64xf32>
    %add3A = arith.addf %squeeze3A, %squeeze3A_4 : vector<10000x64xf32>
    %get3A_5 = arith.constant 0 : index
    %get3A_6 = arith.constant 0 : index
    %get3A_7 = vector.load %arg1[%get3A_5, %get3A_6] : memref<10000x64xf32, #tpu.memory_space<vmem>>, vector<10000x64xf32>
    %add3A_8 = arith.addf %add3A, %get3A_7 : vector<10000x64xf32>
    %max3A = arith.constant 0.000000e+00 : f32
    %max3A_9 = vector.broadcast %max3A : f32 to vector<10000x64xf32>
    %max3A_10 = arith.maximumf %add3A_8, %max3A_9 : vector<10000x64xf32>
    %get3A_11 = arith.constant 0 : index
    %get3A_12 = arith.constant 0 : index
    %get3A_13 = vector.load %arg2[%get3A_11, %get3A_12] : memref<64x64xf32, #tpu.memory_space<vmem>>, vector<64x64xf32>
    %dot_general3A = arith.constant dense<0.000000e+00> : vector<10000x64xf32>
    %dot_general3A_14 = tpu.matmul %max3A_10, %get3A_13, %dot_general3A {dimension_numbers = #tpu.dot_dimension_numbers<[1], [0], [0], [1], [0, 0, 1, 1], [], []>, transpose_lhs_hint = false} : vector<10000x64xf32>, vector<64x64xf32>, vector<10000x64xf32> -> vector<10000x64xf32>
    %swap3A = arith.constant 0 : index
    %swap3A_15 = arith.constant 0 : index
    %swap3A_16 = vector.load %arg5[%swap3A, %swap3A_15] : memref<10000x64xf32, #tpu.memory_space<vmem>>, vector<10000x64xf32>
    tpu.vector_store %arg5[%swap3A, %swap3A_15], %dot_general3A_14 {strides = array<i32>} : memref<10000x64xf32, #tpu.memory_space<vmem>>, vector<10000x64xf32>,
    %get3A_17 = arith.constant 0 : index
    %get3A_18 = arith.constant 0 : index
    %get3A_19 = vector.load %arg4[%get3A_17, %get3A_18] : memref<64x64xf32, #tpu.memory_space<vmem>>, vector<64x64xf32>
    %dot_general3A_20 = arith.constant dense<0.000000e+00> : vector<10000x64xf32>
    %dot_general3A_21 = tpu.matmul %max3A_10, %get3A_19, %dot_general3A_20 {dimension_numbers = #tpu.dot_dimension_numbers<[1], [0], [0], [1], [0, 0, 1, 1], [], []>, transpose_lhs_hint = false} : vector<10000x64xf32>, vector<64x64xf32>, vector<10000x64xf32> -> vector<10000x64xf32>
    %get3A_22 = arith.constant 0 : index
    %get3A_23 = arith.constant 0 : index
    %get3A_24 = vector.load %arg3[%get3A_22, %get3A_23] : memref<1x64xf32, #tpu.memory_space<vmem>>, vector<1x64xf32>
    %add3A_25 = vector.broadcast %get3A_24 : vector<1x64xf32> to vector<10000x64xf32>
    %add3A_26 = arith.addf %dot_general3A_21, %add3A_25 : vector<10000x64xf32>
    %swap3A_27 = arith.constant 0 : index
    %swap3A_28 = arith.constant 0 : index
    %swap3A_29 = vector.load %arg6[%swap3A_27, %swap3A_28] : memref<10000x64xf32, #tpu.memory_space<vmem>>, vector<10000x64xf32>
    tpu.vector_store %arg6[%swap3A_27, %swap3A_28], %add3A_26 {strides = array<i32>} : memref<10000x64xf32, #tpu.memory_space<vmem>>, vector<10000x64xf32>,
    return
  }
}

module attributes {stable_mosaic.version = 14 : i64} {
  func.func @_tc_final(%arg0: memref<2x10240x64xf32, #tpu.memory_space<vmem>>, %arg1: memref<10000x64xf32, #tpu.memory_space<vmem>>, %arg2: memref<10000x1xi32, #tpu.memory_space<vmem>>, %arg3: memref<64x64xf32, #tpu.memory_space<vmem>>, %arg4: memref<1x64xf32, #tpu.memory_space<vmem>>, %arg5: memref<64x1xf32, #tpu.memory_space<vmem>>, %arg6: memref<1x1xf32, #tpu.memory_space<vmem>>, %arg7: memref<64x1xf32, #tpu.memory_space<vmem>>) attributes {dimension_semantics = [], scalar_prefetch = 0 : i64, scratch_operands = 0 : i64, tpu.core_type = #tpu.core_type<tc>} {
    %get3A = arith.constant 0 : index
    %get3A_0 = arith.constant 0 : index
    %get3A_1 = arith.constant 0 : index
    %get3A_2 = vector.load %arg0[%get3A, %get3A_0, %get3A_1] : memref<2x10240x64xf32, #tpu.memory_space<vmem>>, vector<2x10240x64xf32>
    %slice3A = vector.extract_strided_slice %get3A_2 {offsets = [0, 0, 0], sizes = [1, 10000, 64], strides = [1, 1, 1]} : vector<2x10240x64xf32> to vector<1x10000x64xf32>
    %squeeze3A = vector.shape_cast %slice3A : vector<1x10000x64xf32> to vector<10000x64xf32>
    %slice3A_3 = vector.extract_strided_slice %get3A_2 {offsets = [1, 0, 0], sizes = [1, 10000, 64], strides = [1, 1, 1]} : vector<2x10240x64xf32> to vector<1x10000x64xf32>
    %squeeze3A_4 = vector.shape_cast %slice3A_3 : vector<1x10000x64xf32> to vector<10000x64xf32>
    %add3A = arith.addf %squeeze3A, %squeeze3A_4 : vector<10000x64xf32>
    %get3A_5 = arith.constant 0 : index
    %get3A_6 = arith.constant 0 : index
    %get3A_7 = vector.load %arg1[%get3A_5, %get3A_6] : memref<10000x64xf32, #tpu.memory_space<vmem>>, vector<10000x64xf32>
    %add3A_8 = arith.addf %add3A, %get3A_7 : vector<10000x64xf32>
    %max3A = arith.constant 0.000000e+00 : f32
    %max3A_9 = vector.broadcast %max3A : f32 to vector<10000x64xf32>
    %max3A_10 = arith.maximumf %add3A_8, %max3A_9 : vector<10000x64xf32>
    %iota3A = tpu.iota {dimensions = array<i32: 1>} : vector<10000x64xi32>
    %get3A_11 = arith.constant 0 : index
    %get3A_12 = arith.constant 0 : index
    %get3A_13 = vector.load %arg2[%get3A_11, %get3A_12] : memref<10000x1xi32, #tpu.memory_space<vmem>>, vector<10000x1xi32>
    %eq3A = vector.broadcast %get3A_13 : vector<10000x1xi32> to vector<10000x64xi32>
    %eq3A_14 = arith.cmpi eq, %eq3A, %iota3A : vector<10000x64xi32>
    %convert_element_type3A = arith.extui %eq3A_14 : vector<10000x64xi1> to vector<10000x64xi32>
    %convert_element_type3A_15 = arith.sitofp %convert_element_type3A : vector<10000x64xi32> to vector<10000x64xf32>
    %dot_general3A = arith.constant dense<0.000000e+00> : vector<64x64xf32>
    %dot_general3A_16 = tpu.matmul %convert_element_type3A_15, %max3A_10, %dot_general3A {dimension_numbers = #tpu.dot_dimension_numbers<[0], [0], [1], [1], [0, 1, 1, 1], [], []>, transpose_lhs_hint = false} : vector<10000x64xf32>, vector<10000x64xf32>, vector<64x64xf32> -> vector<64x64xf32>
    %broadcast_in_dim3A = arith.constant 1.000000e+00 : f32
    %broadcast_in_dim3A_17 = vector.broadcast %broadcast_in_dim3A : f32 to vector<10000x1xf32>
    %dot_general3A_18 = arith.constant dense<0.000000e+00> : vector<64x1xf32>
    %dot_general3A_19 = tpu.matmul %convert_element_type3A_15, %broadcast_in_dim3A_17, %dot_general3A_18 {dimension_numbers = #tpu.dot_dimension_numbers<[0], [0], [1], [1], [0, 1, 1, 1], [], []>, transpose_lhs_hint = false} : vector<10000x64xf32>, vector<10000x1xf32>, vector<64x1xf32> -> vector<64x1xf32>
    %max3A_20 = arith.constant 1.000000e+00 : f32
    %max3A_21 = vector.broadcast %max3A_20 : f32 to vector<64x1xf32>
    %max3A_22 = arith.maximumf %dot_general3A_19, %max3A_21 : vector<64x1xf32>
    %div3A = vector.broadcast %max3A_22 : vector<64x1xf32> to vector<64x64xf32>
    %div3A_23 = arith.divf %dot_general3A_16, %div3A : vector<64x64xf32>
    %get3A_24 = arith.constant 0 : index
    %get3A_25 = arith.constant 0 : index
    %get3A_26 = vector.load %arg3[%get3A_24, %get3A_25] : memref<64x64xf32, #tpu.memory_space<vmem>>, vector<64x64xf32>
    %dot_general3A_27 = arith.constant dense<0.000000e+00> : vector<64x64xf32>
    %dot_general3A_28 = tpu.matmul %div3A_23, %get3A_26, %dot_general3A_27 {dimension_numbers = #tpu.dot_dimension_numbers<[1], [0], [0], [1], [0, 0, 1, 1], [], []>, transpose_lhs_hint = false} : vector<64x64xf32>, vector<64x64xf32>, vector<64x64xf32> -> vector<64x64xf32>
    %get3A_29 = arith.constant 0 : index
    %get3A_30 = arith.constant 0 : index
    %get3A_31 = vector.load %arg4[%get3A_29, %get3A_30] : memref<1x64xf32, #tpu.memory_space<vmem>>, vector<1x64xf32>
    %add3A_32 = vector.broadcast %get3A_31 : vector<1x64xf32> to vector<64x64xf32>
    %add3A_33 = arith.addf %dot_general3A_28, %add3A_32 : vector<64x64xf32>
    %max3A_34 = arith.constant 0.000000e+00 : f32
    %max3A_35 = vector.broadcast %max3A_34 : f32 to vector<64x64xf32>
    %max3A_36 = arith.maximumf %add3A_33, %max3A_35 : vector<64x64xf32>
    %get3A_37 = arith.constant 0 : index
    %get3A_38 = arith.constant 0 : index
    %get3A_39 = vector.load %arg5[%get3A_37, %get3A_38] : memref<64x1xf32, #tpu.memory_space<vmem>>, vector<64x1xf32>
    %dot_general3A_40 = arith.constant dense<0.000000e+00> : vector<64x1xf32>
    %dot_general3A_41 = tpu.matmul %max3A_36, %get3A_39, %dot_general3A_40 {dimension_numbers = #tpu.dot_dimension_numbers<[1], [0], [0], [1], [0, 0, 1, 1], [], []>, transpose_lhs_hint = false} : vector<64x64xf32>, vector<64x1xf32>, vector<64x1xf32> -> vector<64x1xf32>
    %get3A_42 = arith.constant 0 : index
    %get3A_43 = arith.constant 0 : index
    %get3A_44 = vector.load %arg6[%get3A_42, %get3A_43] : memref<1x1xf32, #tpu.memory_space<vmem>>, vector<1x1xf32>
    %add3A_45 = vector.broadcast %get3A_44 : vector<1x1xf32> to vector<64x1xf32>
    %add3A_46 = arith.addf %dot_general3A_41, %add3A_45 : vector<64x1xf32>
    %swap3A = arith.constant 0 : index
    %swap3A_47 = arith.constant 0 : index
    %swap3A_48 = vector.load %arg7[%swap3A, %swap3A_47] : memref<64x1xf32, #tpu.memory_space<vmem>>, vector<64x1xf32>
    tpu.vector_store %arg7[%swap3A, %swap3A_47], %add3A_46 {strides = array<i32>} : memref<64x1xf32, #tpu.memory_space<vmem>>, vector<64x1xf32>,
    return
  }
}

</mosaic_0001>

<sc_bundles>
// kernel: kernel.15.cloned.1.call-start
scs
__scs_entry_jumppad:
0x0: {  	(pc) =	sbr.rel $0x88, $3  }
0x1: {  	(tag) =	ssettag $0x0;
	lr =	simm.s32 $0x1  }
0x2: {  	[smem:$0x3F88] =	sst lr;
	_ =	strace $0xD0000000  }
0x3: {  	_ = 	snop  }
0x4: {  	_ = 	snop  }
0x5: {  	_ = 	snop  }
0x6: {  	_ = 	snop  }
0x7: {  	_ = 	snop  }
__scs_overlays_trampoline_lowered:
0x8: {  	[smem:$0x3F97] =	sst s0  }
0x9: {  	[smem:$0x3F98] =	sst s1  }
0xa: {  	[smem:$0x3F99] =	sst s2  }
0xb: {  	[smem:$0x3F9A] =	sst s3  }
0xc: {  	[smem:$0x3F9B] =	sst s4  }
0xd: {  	[smem:$0x3F9C] =	sst s5  }
0xe: {  	[smem:$0x3F9D] =	sst s6  }
0xf: {  	[smem:$0x3F9E] =	sst s7  }
0x10: {  	[smem:$0x3F9F] =	sst s8  }
0x11: {  	[smem:$0x3FA0] =	sst s9;
	s0 =	simm.s32 @!p0 $0x0  }
0x12: {  	s1 =	sld [smem:$0x3F86];
	s0 =	simm.s32 @p0 $0x1  }
0x13: {  	[smem:$0x3FA1] =	sst s0;
	s0 =	simm.s32 @!p1 $0x0  }
0x14: {  	s2 =	sld [smem:$0x3F85];
	s0 =	simm.s32 @p1 $0x1  }
0x15: {  	[smem:$0x3FA2] =	sst s0;
	s0 =	simm.s32 @!p2 $0x0  }
0x16: {  	s3 =	sld [smem:$0x3FDB];
	s0 =	simm.s32 @p2 $0x1  }
0x17: {  	s4 =	simm.s32 $0x1BF5;
	[smem:$0x3FA4] =	sst s0  }
0x18: {  	s0 =	sld [smem:$0x3F87];
	_ =	swait.ge [sflag:s4], $0x0  }
0x19: {  	s7 =	sld [smem:$0x3F88]  }
0x1a: {  	s8 =	sadd.s32 $0xFFFFE003, lr  }
0x1b: {  	s9 =	sadd.s32 $0xFFFFFEF7, lr;
	s5 =	simm.s32 $0xFFFFFFFF;
	p2 =	slt.u32 s8, $0xFFFFF086  }
0x1c: {  	p1 =	slt.u32 s9, $0xF7A;
	s5 =	simm.s32 @!p2 $0x0  }
0x1d: {  	s5 =	simm.s32 @p1 $0x1;
	p0 =	seq.s32 s7, s2  }
0x1e: {  	s7 =	smul.u32 @!p0 $0xF7A, s2;
	p2 =	seq.s32 @!p0 s5, $0x0  }
0x1f: {  	s9 =	smul.u32 $0xF7A, s1;
	s8 =	simm.s32 @!p0 $0x1BF5;
	p2 =	por !p2, p0  }
0x20: {  	[sflag:s8] =	ssyncset.s32 @!p0 $0xFFFFF086;
	s6 =	sadd.s32 @!p0 s3, s7;
	s7 =	simm.s32 @!p0 $0x108  }
0x21: {  	s3 =	sadd.s32 s3, s9;
	s6 =	sadd.s32 @!p0 $0x88, s6;
	s7 =	simm.s32 @p2 $0x1082  }
0x22: {  	[simem:s7], [sflag:s8] =	dma.local @!p0 [hbm:s6], $0xF7A  }
0x23: {  	s9 =	sor.u32 $0xD0000000, s2;
	s6 =	simm.s32 $0x108;
	_ =	swait.ge @!p0 [sflag:s8], $0x0  }
0x24: {  	s3 =	sadd.s32 $0x88, s3;
	s6 =	simm.s32 @!p1 $0x1082;
	[sflag:s4] =	ssyncset.s32 $0xFFFFF086  }
0x25: {  	[simem:s6], [sflag:s4] =	dma.local [hbm:s3], $0xF7A  }
0x26: {  	[smem:$0x3F88] =	sst s1;
	(tag) =	ssettag s2;
	_ =	strace s9  }
0x27: {  	s1 =	sld [smem:$0x3F98]  }
0x28: {  	s2 =	sld [smem:$0x3F99]  }
0x29: {  	s4 =	sld [smem:$0x3F9B]  }
0x2a: {  	p0 =	seq.s32 s5, $0x0;
	s5 =	sld [smem:$0x3F9C]  }
0x2b: {  	s6 =	sld [smem:$0x3F9D]  }
0x2c: {  	s7 =	sld [smem:$0x3F9E]  }
0x2d: {  	s3 =	simm.s32 $0x108;
	s8 =	sld [smem:$0x3F9F]  }
0x2e: {  	s3 =	simm.s32 @!p0 $0x1082;
	s9 =	sld [smem:$0x3FA0]  }
0x2f: {  	lr =	sadd.s32 s0, s3;
	s0 =	sld [smem:$0x3F97]  }
0x30: {  	s3 =	sld [smem:$0x3F9A]  }
0x31: {  	[smem:$0x3FA3] =	sst s10  }
0x32: {  	s10 =	sld [smem:$0x3FA1];
	_ =	sdelay $0x3  }
0x33: {  	p0 =	seq.s32 s10, $0x1;
	s10 =	sld [smem:$0x3FA3];
	_ =	sdelay $0x3  }
0x34: {  	[smem:$0x3FA3] =	sst s10  }
0x35: {  	s10 =	sld [smem:$0x3FA2];
	_ =	sdelay $0x3  }
0x36: {  	p1 =	seq.s32 s10, $0x1;
	s10 =	sld [smem:$0x3FA3];
	_ =	sdelay $0x3  }
0x37: {  	[smem:$0x3FA3] =	sst s10  }
0x38: {  	s10 =	sld [smem:$0x3FA4]  }
0x39: {  	_ = 	snop;
	(pc) =	sbr.ind lr, $3  }
0x3a: {  	_ = 	snop  }
0x3b: {  	_ = 	snop  }
0x3c: {  	p2 =	seq.s32 s10, $0x1;
	s10 =	sld [smem:$0x3FA3]  }
0x3d: {  	_ =	shalt  }
0x3e: {  	_ =	shalt  }
0x3f: {  	_ =	shalt  }
0x40: {  	_ =	shalt  }
0x41: {  	_ =	shalt  }
0x42: {  	_ =	shalt  }
0x43: {  	_ =	shalt  }
0x44: {  	_ =	shalt  }
0x45: {  	_ =	shalt  }
0x46: {  	_ =	shalt  }
0x47: {  	_ =	shalt  }
0x48: {  	_ =	shalt  }
0x49: {  	_ =	shalt  }
0x4a: {  	_ =	shalt  }
0x4b: {  	_ =	shalt  }
0x4c: {  	_ =	shalt  }
0x4d: {  	_ =	shalt  }
0x4e: {  	_ =	shalt  }
0x4f: {  	_ =	shalt  }
0x50: {  	_ =	shalt  }
0x51: {  	_ =	shalt  }
0x52: {  	_ =	shalt  }
0x53: {  	_ =	shalt  }
0x54: {  	_ =	shalt  }
0x55: {  	_ =	shalt  }
0x56: {  	_ =	shalt  }
0x57: {  	_ =	shalt  }
0x58: {  	_ =	shalt  }
0x59: {  	_ =	shalt  }
0x5a: {  	_ =	shalt  }
0x5b: {  	_ =	shalt  }
0x5c: {  	_ =	shalt  }
0x5d: {  	_ =	shalt  }
0x5e: {  	_ =	shalt  }
0x5f: {  	_ =	shalt  }
0x60: {  	_ =	shalt  }
0x61: {  	_ =	shalt  }
0x62: {  	_ =	shalt  }
0x63: {  	_ =	shalt  }
0x64: {  	_ =	shalt  }
0x65: {  	_ =	shalt  }
0x66: {  	_ =	shalt  }
0x67: {  	_ =	shalt  }
0x68: {  	_ =	shalt  }
0x69: {  	_ =	shalt  }
0x6a: {  	_ =	shalt  }
0x6b: {  	_ =	shalt  }
0x6c: {  	_ =	shalt  }
0x6d: {  	_ =	shalt  }
0x6e: {  	_ =	shalt  }
0x6f: {  	_ =	shalt  }
0x70: {  	_ =	shalt  }
0x71: {  	_ =	shalt  }
0x72: {  	_ =	shalt  }
0x73: {  	_ =	shalt  }
0x74: {  	_ =	shalt  }
0x75: {  	_ =	shalt  }
0x76: {  	_ =	shalt  }
0x77: {  	_ =	shalt  }
0x78: {  	_ =	shalt  }
0x79: {  	_ =	shalt  }
0x7a: {  	_ =	shalt  }
0x7b: {  	_ =	shalt  }
0x7c: {  	_ =	shalt  }
0x7d: {  	_ =	shalt  }
0x7e: {  	_ =	shalt  }
0x7f: {  	_ =	shalt  }
0x80: {  	_ =	shalt  }
0x81: {  	_ =	shalt  }
0x82: {  	_ =	shalt  }
0x83: {  	_ =	shalt  }
0x84: {  	_ =	shalt  }
0x85: {  	_ =	shalt  }
0x86: {  	_ =	shalt  }
0x87: {  	_ =	shalt  }
.Lfunc_end0:
.L_simem_size_0:
called_computation_lowered:
.L_overlay_start_0:
0x88: {  	s2 =	sld [smem:$0x3FD9]  }
0x89: {  	s3 =	sld [smem:$0x3FFE];
	_ =	sdelay $0x1  }
0x8a: {  	s1 =	srdreg.scid  }
0x8b: {  	s0 =	sand.u32 $0x1, s1  }
0x8c: {  	s16 =	sshll.u32 s0, $0xA;
	s2 =	sadd.s32 s3, s2  }
0x8d: {  	s2 =	sadd.s32 s2, s16  }
0x8e: {  	[smem:$0x3FAF] =	sst s2  }
0x8f: {  	_ = 	snop  }
0x90: {  	(tm) =	ssettm $0x1  }
0x91: {  	s17 =	sld [smem:$0x3FFB];
	_ =	sdelay $0x3  }
0x92: {  	_ =	strace s17  }
0x93: {  	s2 =	sld [smem:$0x3FFC];
	_ =	sdelay $0x3  }
0x94: {  	_ =	strace s2  }
0x95: {  	s2 =	sld [smem:$0x3FFD];
	_ =	sdelay $0x3  }
0x96: {  	_ =	strace s2  }
0x97: {  	_ =	strace $0x8FFFFFFF  }
0x98: {  	s18 =	sld [smem:$0x3FDB];
	_ =	sdelay $0x1  }
0x99: {  	s19 =	simm.s32 $_scs_section_size  }
0x9a: {  	s4 =	simm.s32 $_size__tile_overlayer_lowered;
	s5 =	simm.s32 $_tile_overlayer_lowered  }
0x9b: {  	s22 =	simm.s32 $0x1BFF;
	s21 =	sshll.u32 s5, $0x1;
	s2 =	sadd.s32 s19, s18  }
0x9c: {  	s6 =	simm.s32 $0x0;
	s20 =	sshll.u32 s4, $0x1;
	s4 =	sadd.s32 s21, s2  }
0x9d: {  	[timem:s6], [sflag:s22] =	dma.local [hbm:s4], s20  }
0x9e: {  	_ =	swait.ge [sflag:s22], s20  }
0x9f: {  	s3 =	ssub.s32 $0x0, s20;
	[sflag:s22] =	ssyncset.done $0x0  }
0xa0: {  	[sflag:s22] =	ssyncadd.s32 s3;
	_ =	sdelay $0x1  }
0xa1: {  	s23 =	simm.s32 $0x1B8B  }
0xa2: {  	_ =	swait.ge [sflag:s23], $0x1  }
0xa3: {  	[sflag:s23] =	ssyncset.done $0x0  }
0xa4: {  	s25 =	simm.s32 $0x1B8E;
	s24 =	sld [smem:$0x3FFE];
	[sflag:s23] =	ssyncadd.s32 $0xFFFFFFFF  }
0xa5: {  	s26 =	simm.s32 $execute0_lowered;
	[smem:$0x3FD2] =	sst s25  }
0xa6: {  	s4 =	sshll.u32 s26, $0x1;
	_ =	strace $0x80000046;
	[dreg:$0x1] =	wrdreg $0xFFFFFFFF  }
0xa7: {  	s28 =	simm.s32 $_size_execute0_lowered;
	s2 =	sadd.s32 s2, s4;
	[dreg:$0x0] =	wrdreg $0x0  }
0xa8: {  	s4 =	sshll.u32 s28, $0x1;
	[dreg:$0x2] =	wrdreg s2  }
0xa9: {  	[dreg:$0x3] =	wrdreg s4  }
0xaa: {  	[dreg:$0x4] =	wrdreg $0xC0  }
0xab: {  	_ =	task [dreg:s6], $0x5FFFF  }
0xac: {  	[dreg:$0x1] =	wrdreg $0xFFFFFFFF  }
0xad: {  	[dreg:$0x0] =	wrdreg $0x60  }
0xae: {  	[dreg:$0x2] =	wrdreg s24  }
0xaf: {  	[dreg:$0x3] =	wrdreg $0x14A00  }
0xb0: {  	[dreg:$0x4] =	wrdreg $0x9  }
0xb1: {  	_ =	task.clear_ibuf [dreg:s6], $0x5FFFF;
	_ =	strace $0x90000046  }
0xb2: {  	s29 =	simm.s32 $0x9;
	_ =	strace $0x80000048  }
0xb3: {  	_ =	swait.ge [sflag:s29], $0x1  }
0xb4: {  	[sflag:s29] =	ssyncadd.s32 $0xFFFFFFFF  }
0xb5: {  	_ =	strace $0x90000048  }
0xb6: {  	_ =	sfence  }
0xb7: {  	s30 =	sld [smem:$0x0];
	_ =	sdelay $0x2  }
0xb8: {  	s31 =	sshll.u32 s1, $0xD;
	s1 =	sshrl.u32 s1, $0x2  }
0xb9: {  	s3 =	sand.u32 $0x4000, s31;
	s1 =	sadd.s32 s1, s30  }
0xba: {  	s0 =	sor.u32 s3, s0;
	s1 =	sshll.u32 s1, $0x11  }
0xbb: {  	s0 =	sor.u32 s1, s0  }
0xbc: {  	s0 =	sadd.s32 $0x8F2B, s0  }
0xbd: {  	[sflag:s0] =	ssyncadd.remote.s32 $0x1  }
0xbe: {  	_ =	sfence.sel $0xFFFF  }
0xbf: {  	[dreg:$0x0] =	wrdreg $0xFFFFFFFF;
	(pc) =	sbr.abs _section_cstart, $3  }
0xc0: {  	[dreg:$0x1] =	wrdreg $0xFFFFFFFF  }
0xc1: {  	_ =	task.clear_ibuf [dreg:s6], $0x2FFFF;
	_ =	strace $0x9FFFFFFF  }
0xc2: {  	(tm) =	ssettm $0x7FFFFFFF  }
0xc3: {  	_ =	shalt  }
tec
execute0_lowered:
.L_overlay_start_1:
0x0: {  	(tag) =	ssettag $0x1  }
0x1: {  	s6 =	rddreg [dreg:$0x0]  }
0x2: {  	s2 =	rddreg [dreg:$0x1]  }
0x3: {  	s0 =	srdreg.scid;
	s1 =	rddreg [dreg:$0x2]  }
0x4: {  	s3 =	simm.s32 $0x0;
	s12 =	simm.s32 $0x2;
	s5 =	sand.u32 $0x1, s0  }
0x5: {  	s13 =	simm.s32 $0x50;
	s0 =	stileid.u32;
	s4 =	smul.u32 $0x27100, s5  }
0x6: {  	s14 =	simm.s32 $0xA0;
	s15 =	simm.s32 $0x1;
	s7 =	smul.u32 $0x2710, s0  }
0x7: {  	s16 =	simm.s32 $0x0;
	[smem:$0x7FF] =	sst s3;
	s8 =	smul.u32 $0xA000, s0  }
0x8: {  	s9 =	smul.u32 $0xA0000, s5;
	_ =	strace $0x80000047;
	s29 =	ssub.s32 $0x2, s5  }
0x9: {  	s5 =	sadd.s32 $0x2BA00, s6;
	s30 =	sshll.u32 s0, $0x6;
	s11 =	sshrl.u32 s29, $0x1  }
0xa: {  	s7 =	sadd.s32 s7, s4;
	s4 =	sadd.s32 $0x18000, s6;
	s28 =	sadd.s32 s8, s9  }
0xb: {  	s9 =	ssub.s32 s29, s11;
	s31 =	sadd.s32 s8, s2;
	s7 =	sshrl.u32 s7, $0x3  }
0xc: {  	s8 =	smax.u32 s9, $0x1;
	s10 =	sadd.s32 s7, s6;
	s7 =	sshrl.u32 s28, $0x3  }
0xd: {  	s11 =	sshrl.u32 s31, $0x3;
	s7 =	sadd.s32 s7, s6;
	s6 =	sor.u32 $0x1C02, s30  }
0xe: {  	s9 =	sadd.s32 $0x4400, s10;
	s10 =	sadd.s32 $0xE200, s10;
	s7 =	sadd.s32 $0x2CE00, s7  }
.LBB2_1:
0xf: {  	[spmem:s11], [sflag:s6] =	dma.local [hbm:s5], $0x1400  }
0x10: {  	_ =	swait.ge [sflag:s12], $0x1400  }
0x11: {  	[sflag:s12] =	ssyncset.done $0x0  }
0x12: {  	[sflag:s12] =	ssyncadd.s32 $0xFFFFEC00  }
0x13: {  	s17 =	sadd.s32 $0x0, s10;
	[bflag:$0x0] =	sbarrier.arrive $0xFFFF  }
0x14: {  	[tilespmem:s3], [sflag:$0x2] =	stream.linear.gather [hbm4b:s17+s3], $0x50, $0x38;
	[tilespmem:$0xB4A0] =	vst v63  }
0x15: {  	_ =	swait.ge [sflag:s12], $0x50  }
0x16: {  	[sflag:s12] =	ssyncset.done $0x0  }
0x17: {  	s31 =	sadd.s32 $0x0, s9;
	[sflag:s12] =	ssyncadd.s32 $0xFFFFFFB0  }
0x18: {  	[tilespmem:s13], [sflag:$0x2] =	stream.linear.gather [hbm4b:s31+s3], $0x50, $0x38;
	[tilespmem:$0xB4A0] =	vst v63  }
0x19: {  	_ =	swait.ge [sflag:s12], $0x50  }
0x1a: {  	[sflag:s12] =	ssyncset.done $0x0  }
0x1b: {  	[sflag:s12] =	ssyncadd.s32 $0xFFFFFFB0  }
0x1c: {  	[tilespmem:s14], [sflag:$0x1] =	stream.indirect.gather [hbm4b:s4+s13], $0x40, s3, s13, $0xb8;
	[tilespmem:$0xB4A0] =	vst v63  }
0x1d: {  	_ =	swait.ge [sflag:s15], $0x1400  }
0x1e: {  	[sflag:s15] =	ssyncset.done $0x0  }
0x1f: {  	[sflag:s15] =	ssyncadd.s32 $0xFFFFEC00  }
0x20: {  	[spmem:s2] =	stream.indirect.scatter.add.f32 [tilespmem:s14], [sflag:$0x2], $0x40, s13, s13, $0xb8;
	[tilespmem:$0xB4A0] =	vst v63  }
0x21: {  	_ =	swait.ge [sflag:s12], $0x1400  }
0x22: {  	s18 =	simm.s32 $0x14;
	s17 =	simm.s32 $0xA;
	[sflag:s12] =	ssyncset.done $0x0  }
.LBB2_2:
0x23: {  	s19 =	sadd.s32 s17, s10  }
0x24: {  	[sflag:s12] =	ssyncadd.s32 $0xFFFFEC00;
	s20 =	smov.u32 s18;
	s21 =	sadd.s32 $0xA, s18  }
0x25: {  	[tilespmem:s3], [sflag:$0x2] =	stream.linear.gather [hbm4b:s19+s3], $0x50, $0x38;
	[tilespmem:$0xB4A0] =	vst v63  }
0x26: {  	p0 =	sne.s32 s18, $0x4D8;
	_ =	swait.ge [sflag:s12], $0x50  }
0x27: {  	[sflag:s12] =	ssyncset.done $0x0  }
0x28: {  	s18 =	sadd.s32 s17, s9;
	s17 =	smov.u32 s20;
	[sflag:s12] =	ssyncadd.s32 $0xFFFFFFB0  }
0x29: {  	[tilespmem:s13], [sflag:$0x2] =	stream.linear.gather [hbm4b:s18+s3], $0x50, $0x38;
	[tilespmem:$0xB4A0] =	vst v63  }
0x2a: {  	_ =	swait.ge [sflag:s12], $0x50  }
0x2b: {  	[sflag:s12] =	ssyncset.done $0x0  }
0x2c: {  	[sflag:s12] =	ssyncadd.s32 $0xFFFFFFB0  }
0x2d: {  	[tilespmem:s14], [sflag:$0x1] =	stream.indirect.gather [hbm4b:s4+s13], $0x40, s3, s13, $0xb8;
	[tilespmem:$0xB4A0] =	vst v63  }
0x2e: {  	_ =	swait.ge [sflag:s15], $0x1400  }
.Ltmp0:
0x2f: {  	[sflag:s15] =	ssyncset.done $0x0;
	(pc) =	sbr.rel @p0 .LBB2_2-.Ltmp0, $4  }
0x30: {  	[sflag:s15] =	ssyncadd.s32 $0xFFFFEC00  }
0x31: {  	[spmem:s2] =	stream.indirect.scatter.add.f32 [tilespmem:s14], [sflag:$0x2], $0x40, s13, s13, $0xb8;
	[tilespmem:$0xB4A0] =	vst v63  }
0x32: {  	_ =	swait.ge [sflag:s12], $0x1400  }
0x33: {  	s18 =	smov.u32 s21;
	[sflag:s12] =	ssyncset.done $0x0  }
0x34: {  	s18 =	sadd.s32 s17, s10;
	[sflag:s12] =	ssyncadd.s32 $0xFFFFEC00  }
0x35: {  	[tilespmem:s3], [sflag:$0x2] =	stream.linear.gather [hbm4b:s18+s3], $0x50, $0x38;
	[tilespmem:$0xB4A0] =	vst v63  }
0x36: {  	_ =	swait.ge [sflag:s12], $0x50  }
0x37: {  	[sflag:s12] =	ssyncset.done $0x0  }
0x38: {  	s31 =	sadd.s32 s17, s9;
	[sflag:s12] =	ssyncadd.s32 $0xFFFFFFB0  }
0x39: {  	[tilespmem:s13], [sflag:$0x2] =	stream.linear.gather [hbm4b:s31+s3], $0x50, $0x38;
	[tilespmem:$0xB4A0] =	vst v63  }
0x3a: {  	_ =	swait.ge [sflag:s12], $0x50  }
0x3b: {  	[sflag:s12] =	ssyncset.done $0x0  }
0x3c: {  	[sflag:s12] =	ssyncadd.s32 $0xFFFFFFB0  }
0x3d: {  	[tilespmem:s14], [sflag:$0x1] =	stream.indirect.gather [hbm4b:s4+s13], $0x40, s3, s13, $0xb8;
	[tilespmem:$0xB4A0] =	vst v63  }
0x3e: {  	_ =	swait.ge [sflag:s15], $0x1400  }
0x3f: {  	[sflag:s15] =	ssyncset.done $0x0  }
0x40: {  	[sflag:s15] =	ssyncadd.s32 $0xFFFFEC00  }
0x41: {  	[spmem:s2] =	stream.indirect.scatter.add.f32 [tilespmem:s14], [sflag:$0x2], $0x40, s13, s13, $0xb8;
	[tilespmem:$0xB4A0] =	vst v63  }
0x42: {  	_ =	swait.ge [sflag:s12], $0x1400  }
0x43: {  	s16 =	sadd.s32 $0x1, s16;
	[sflag:s12] =	ssyncset.done $0x0  }
0x44: {  	p0 =	sne.s32 s16, s8;
	[sflag:s12] =	ssyncadd.s32 $0xFFFFEC00  }
.Ltmp1:
0x45: {  	[bflag:$0x0] =	sbarrier.arrive $0xFFFF;
	(pc) =	sbr.rel @p0 .LBB2_1-.Ltmp1, $4  }
0x46: {  	[hbm:s7], [sflag:s6] =	dma.local [spmem:s11], $0x1400  }
0x47: {  	_ =	swait.ge [sflag:s12], $0x1400  }
0x48: {  	[sflag:s12] =	ssyncset.done $0x0  }
0x49: {  	[sflag:s12] =	ssyncadd.s32 $0xFFFFEC00  }
0x4a: {  	_ =	sfence.sel $0x180000  }
0x4b: {  	[bflag:$0x0] =	sbarrier.arrive $0xFFFF  }
0x4c: {  	p0 =	sne.s32 s0, $0x0;
	_ =	strace $0x90000047  }
0x4d: {  	s0 =	sadd.s32 @!p0 $0x100000, s1;
	[bflag:$0x2] =	sbarrier.arrive $0xFFFF  }
0x4e: {  	[sflag:s0] =	ssyncadd.tile.s32 @!p0 $0x1;
	_ =	shalt  }
.Lfunc_end2:
_tile_overlayer_lowered:
.L_overlay_start_2:
0x4f: {  	(tag) =	ssettag $0x2  }
0x50: {  	s0 =	rddreg [dreg:$0x0];
	s2 =	stileid.u32  }
0x51: {  	s1 =	rddreg [dreg:$0x1];
	p0 =	sne.s32 s2, $0x0  }
0x52: {  	s3 =	rddreg [dreg:$0x2];
	[bflag:$0x3] =	sbarrier.arrive $0xFFFF;
	s2 =	simm.s32 @!p0 $0x1C02  }
0x53: {  	[timem:s3], [sflag:s2] =	dma.local @!p0 [hbm:s0], s1  }
0x54: {  	s0 =	simm.s32 @!p0 $0x2  }
0x55: {  	_ =	swait.ge @!p0 [sflag:s0], s1  }
0x56: {  	s1 =	ssub.s32 @!p0 $0x0, s1;
	[sflag:s0] =	ssyncset.done @!p0 $0x0  }
0x57: {  	[sflag:s0] =	ssyncadd.s32 @!p0 s1  }
0x58: {  	[bflag:$0x3] =	sbarrier.arrive $0xFFFF  }
0x59: {  	_ =	shalt  }

// kernel: kernel.18.cloned.1.call-start
scs
__scs_entry_jumppad:
0x0: {  	(pc) =	sbr.rel $0x88, $3  }
0x1: {  	(tag) =	ssettag $0x0;
	lr =	simm.s32 $0x1  }
0x2: {  	[smem:$0x3F88] =	sst lr;
	_ =	strace $0xD0000000  }
0x3: {  	_ = 	snop  }
0x4: {  	_ = 	snop  }
0x5: {  	_ = 	snop  }
0x6: {  	_ = 	snop  }
0x7: {  	_ = 	snop  }
__scs_overlays_trampoline_lowered:
0x8: {  	[smem:$0x3F97] =	sst s0  }
0x9: {  	[smem:$0x3F98] =	sst s1  }
0xa: {  	[smem:$0x3F99] =	sst s2  }
0xb: {  	[smem:$0x3F9A] =	sst s3  }
0xc: {  	[smem:$0x3F9B] =	sst s4  }
0xd: {  	[smem:$0x3F9C] =	sst s5  }
0xe: {  	[smem:$0x3F9D] =	sst s6  }
0xf: {  	[smem:$0x3F9E] =	sst s7  }
0x10: {  	[smem:$0x3F9F] =	sst s8  }
0x11: {  	[smem:$0x3FA0] =	sst s9;
	s0 =	simm.s32 @!p0 $0x0  }
0x12: {  	s1 =	sld [smem:$0x3F86];
	s0 =	simm.s32 @p0 $0x1  }
0x13: {  	[smem:$0x3FA1] =	sst s0;
	s0 =	simm.s32 @!p1 $0x0  }
0x14: {  	s2 =	sld [smem:$0x3F85];
	s0 =	simm.s32 @p1 $0x1  }
0x15: {  	[smem:$0x3FA2] =	sst s0;
	s0 =	simm.s32 @!p2 $0x0  }
0x16: {  	s3 =	sld [smem:$0x3FDB];
	s0 =	simm.s32 @p2 $0x1  }
0x17: {  	s4 =	simm.s32 $0x1BF5;
	[smem:$0x3FA4] =	sst s0  }
0x18: {  	s0 =	sld [smem:$0x3F87];
	_ =	swait.ge [sflag:s4], $0x0  }
0x19: {  	s7 =	sld [smem:$0x3F88]  }
0x1a: {  	s8 =	sadd.s32 $0xFFFFE003, lr  }
0x1b: {  	s9 =	sadd.s32 $0xFFFFFEF7, lr;
	s5 =	simm.s32 $0xFFFFFFFF;
	p2 =	slt.u32 s8, $0xFFFFF086  }
0x1c: {  	p1 =	slt.u32 s9, $0xF7A;
	s5 =	simm.s32 @!p2 $0x0  }
0x1d: {  	s5 =	simm.s32 @p1 $0x1;
	p0 =	seq.s32 s7, s2  }
0x1e: {  	s7 =	smul.u32 @!p0 $0xF7A, s2;
	p2 =	seq.s32 @!p0 s5, $0x0  }
0x1f: {  	s9 =	smul.u32 $0xF7A, s1;
	s8 =	simm.s32 @!p0 $0x1BF5;
	p2 =	por !p2, p0  }
0x20: {  	[sflag:s8] =	ssyncset.s32 @!p0 $0xFFFFF086;
	s6 =	sadd.s32 @!p0 s3, s7;
	s7 =	simm.s32 @!p0 $0x108  }
0x21: {  	s3 =	sadd.s32 s3, s9;
	s6 =	sadd.s32 @!p0 $0x88, s6;
	s7 =	simm.s32 @p2 $0x1082  }
0x22: {  	[simem:s7], [sflag:s8] =	dma.local @!p0 [hbm:s6], $0xF7A  }
0x23: {  	s9 =	sor.u32 $0xD0000000, s2;
	s6 =	simm.s32 $0x108;
	_ =	swait.ge @!p0 [sflag:s8], $0x0  }
0x24: {  	s3 =	sadd.s32 $0x88, s3;
	s6 =	simm.s32 @!p1 $0x1082;
	[sflag:s4] =	ssyncset.s32 $0xFFFFF086  }
0x25: {  	[simem:s6], [sflag:s4] =	dma.local [hbm:s3], $0xF7A  }
0x26: {  	[smem:$0x3F88] =	sst s1;
	(tag) =	ssettag s2;
	_ =	strace s9  }
0x27: {  	s1 =	sld [smem:$0x3F98]  }
0x28: {  	s2 =	sld [smem:$0x3F99]  }
0x29: {  	s4 =	sld [smem:$0x3F9B]  }
0x2a: {  	p0 =	seq.s32 s5, $0x0;
	s5 =	sld [smem:$0x3F9C]  }
0x2b: {  	s6 =	sld [smem:$0x3F9D]  }
0x2c: {  	s7 =	sld [smem:$0x3F9E]  }
0x2d: {  	s3 =	simm.s32 $0x108;
	s8 =	sld [smem:$0x3F9F]  }
0x2e: {  	s3 =	simm.s32 @!p0 $0x1082;
	s9 =	sld [smem:$0x3FA0]  }
0x2f: {  	lr =	sadd.s32 s0, s3;
	s0 =	sld [smem:$0x3F97]  }
0x30: {  	s3 =	sld [smem:$0x3F9A]  }
0x31: {  	[smem:$0x3FA3] =	sst s10  }
0x32: {  	s10 =	sld [smem:$0x3FA1];
	_ =	sdelay $0x3  }
0x33: {  	p0 =	seq.s32 s10, $0x1;
	s10 =	sld [smem:$0x3FA3];
	_ =	sdelay $0x3  }
0x34: {  	[smem:$0x3FA3] =	sst s10  }
0x35: {  	s10 =	sld [smem:$0x3FA2];
	_ =	sdelay $0x3  }
0x36: {  	p1 =	seq.s32 s10, $0x1;
	s10 =	sld [smem:$0x3FA3];
	_ =	sdelay $0x3  }
0x37: {  	[smem:$0x3FA3] =	sst s10  }
0x38: {  	s10 =	sld [smem:$0x3FA4]  }
0x39: {  	_ = 	snop;
	(pc) =	sbr.ind lr, $3  }
0x3a: {  	_ = 	snop  }
0x3b: {  	_ = 	snop  }
0x3c: {  	p2 =	seq.s32 s10, $0x1;
	s10 =	sld [smem:$0x3FA3]  }
0x3d: {  	_ =	shalt  }
0x3e: {  	_ =	shalt  }
0x3f: {  	_ =	shalt  }
0x40: {  	_ =	shalt  }
0x41: {  	_ =	shalt  }
0x42: {  	_ =	shalt  }
0x43: {  	_ =	shalt  }
0x44: {  	_ =	shalt  }
0x45: {  	_ =	shalt  }
0x46: {  	_ =	shalt  }
0x47: {  	_ =	shalt  }
0x48: {  	_ =	shalt  }
0x49: {  	_ =	shalt  }
0x4a: {  	_ =	shalt  }
0x4b: {  	_ =	shalt  }
0x4c: {  	_ =	shalt  }
0x4d: {  	_ =	shalt  }
0x4e: {  	_ =	shalt  }
0x4f: {  	_ =	shalt  }
0x50: {  	_ =	shalt  }
0x51: {  	_ =	shalt  }
0x52: {  	_ =	shalt  }
0x53: {  	_ =	shalt  }
0x54: {  	_ =	shalt  }
0x55: {  	_ =	shalt  }
0x56: {  	_ =	shalt  }
0x57: {  	_ =	shalt  }
0x58: {  	_ =	shalt  }
0x59: {  	_ =	shalt  }
0x5a: {  	_ =	shalt  }
0x5b: {  	_ =	shalt  }
0x5c: {  	_ =	shalt  }
0x5d: {  	_ =	shalt  }
0x5e: {  	_ =	shalt  }
0x5f: {  	_ =	shalt  }
0x60: {  	_ =	shalt  }
0x61: {  	_ =	shalt  }
0x62: {  	_ =	shalt  }
0x63: {  	_ =	shalt  }
0x64: {  	_ =	shalt  }
0x65: {  	_ =	shalt  }
0x66: {  	_ =	shalt  }
0x67: {  	_ =	shalt  }
0x68: {  	_ =	shalt  }
0x69: {  	_ =	shalt  }
0x6a: {  	_ =	shalt  }
0x6b: {  	_ =	shalt  }
0x6c: {  	_ =	shalt  }
0x6d: {  	_ =	shalt  }
0x6e: {  	_ =	shalt  }
0x6f: {  	_ =	shalt  }
0x70: {  	_ =	shalt  }
0x71: {  	_ =	shalt  }
0x72: {  	_ =	shalt  }
0x73: {  	_ =	shalt  }
0x74: {  	_ =	shalt  }
0x75: {  	_ =	shalt  }
0x76: {  	_ =	shalt  }
0x77: {  	_ =	shalt  }
0x78: {  	_ =	shalt  }
0x79: {  	_ =	shalt  }
0x7a: {  	_ =	shalt  }
0x7b: {  	_ =	shalt  }
0x7c: {  	_ =	shalt  }
0x7d: {  	_ =	shalt  }
0x7e: {  	_ =	shalt  }
0x7f: {  	_ =	shalt  }
0x80: {  	_ =	shalt  }
0x81: {  	_ =	shalt  }
0x82: {  	_ =	shalt  }
0x83: {  	_ =	shalt  }
0x84: {  	_ =	shalt  }
0x85: {  	_ =	shalt  }
0x86: {  	_ =	shalt  }
0x87: {  	_ =	shalt  }
.Lfunc_end0:
.L_simem_size_0:
called_computation.1_lowered:
.L_overlay_start_0:
0x88: {  	s2 =	sld [smem:$0x3FD9]  }
0x89: {  	s3 =	sld [smem:$0x3FFE];
	_ =	sdelay $0x1  }
0x8a: {  	s1 =	srdreg.scid  }
0x8b: {  	s0 =	sand.u32 $0x1, s1  }
0x8c: {  	s16 =	sshll.u32 s0, $0xA;
	s2 =	sadd.s32 s3, s2  }
0x8d: {  	s2 =	sadd.s32 s2, s16  }
0x8e: {  	[smem:$0x3FAF] =	sst s2  }
0x8f: {  	_ = 	snop  }
0x90: {  	(tm) =	ssettm $0x1  }
0x91: {  	s17 =	sld [smem:$0x3FFB];
	_ =	sdelay $0x3  }
0x92: {  	_ =	strace s17  }
0x93: {  	s2 =	sld [smem:$0x3FFC];
	_ =	sdelay $0x3  }
0x94: {  	_ =	strace s2  }
0x95: {  	s2 =	sld [smem:$0x3FFD];
	_ =	sdelay $0x3  }
0x96: {  	_ =	strace s2  }
0x97: {  	_ =	strace $0x8FFFFFFF  }
0x98: {  	s18 =	sld [smem:$0x3FDB];
	_ =	sdelay $0x1  }
0x99: {  	s19 =	simm.s32 $_scs_section_size  }
0x9a: {  	s4 =	simm.s32 $_size__tile_overlayer_lowered;
	s5 =	simm.s32 $_tile_overlayer_lowered  }
0x9b: {  	s22 =	simm.s32 $0x1BFF;
	s21 =	sshll.u32 s5, $0x1;
	s2 =	sadd.s32 s19, s18  }
0x9c: {  	s6 =	simm.s32 $0x0;
	s20 =	sshll.u32 s4, $0x1;
	s4 =	sadd.s32 s21, s2  }
0x9d: {  	[timem:s6], [sflag:s22] =	dma.local [hbm:s4], s20  }
0x9e: {  	_ =	swait.ge [sflag:s22], s20  }
0x9f: {  	s3 =	ssub.s32 $0x0, s20;
	[sflag:s22] =	ssyncset.done $0x0  }
0xa0: {  	[sflag:s22] =	ssyncadd.s32 s3;
	_ =	sdelay $0x1  }
0xa1: {  	s23 =	simm.s32 $0x1B8B  }
0xa2: {  	_ =	swait.ge [sflag:s23], $0x1  }
0xa3: {  	[sflag:s23] =	ssyncset.done $0x0  }
0xa4: {  	s25 =	simm.s32 $0x1B8E;
	s24 =	sld [smem:$0x3FFE];
	[sflag:s23] =	ssyncadd.s32 $0xFFFFFFFF  }
0xa5: {  	s26 =	simm.s32 $execute0_lowered;
	[smem:$0x3FD2] =	sst s25  }
0xa6: {  	s4 =	sshll.u32 s26, $0x1;
	_ =	strace $0x80000049;
	[dreg:$0x1] =	wrdreg $0xFFFFFFFF  }
0xa7: {  	s28 =	simm.s32 $_size_execute0_lowered;
	s2 =	sadd.s32 s2, s4;
	[dreg:$0x0] =	wrdreg $0x0  }
0xa8: {  	s4 =	sshll.u32 s28, $0x1;
	[dreg:$0x2] =	wrdreg s2  }
0xa9: {  	[dreg:$0x3] =	wrdreg s4  }
0xaa: {  	[dreg:$0x4] =	wrdreg $0xC0  }
0xab: {  	_ =	task [dreg:s6], $0x5FFFF  }
0xac: {  	[dreg:$0x1] =	wrdreg $0xFFFFFFFF  }
0xad: {  	[dreg:$0x0] =	wrdreg $0x60  }
0xae: {  	[dreg:$0x2] =	wrdreg s24  }
0xaf: {  	[dreg:$0x3] =	wrdreg $0x14A00  }
0xb0: {  	[dreg:$0x4] =	wrdreg $0x9  }
0xb1: {  	_ =	task.clear_ibuf [dreg:s6], $0x5FFFF;
	_ =	strace $0x90000049  }
0xb2: {  	s29 =	simm.s32 $0x9;
	_ =	strace $0x8000004B  }
0xb3: {  	_ =	swait.ge [sflag:s29], $0x1  }
0xb4: {  	[sflag:s29] =	ssyncadd.s32 $0xFFFFFFFF  }
0xb5: {  	_ =	strace $0x9000004B  }
0xb6: {  	_ =	sfence  }
0xb7: {  	s30 =	sld [smem:$0x0];
	_ =	sdelay $0x2  }
0xb8: {  	s31 =	sshll.u32 s1, $0xD;
	s1 =	sshrl.u32 s1, $0x2  }
0xb9: {  	s3 =	sand.u32 $0x4000, s31;
	s1 =	sadd.s32 s1, s30  }
0xba: {  	s0 =	sor.u32 s3, s0;
	s1 =	sshll.u32 s1, $0x11  }
0xbb: {  	s0 =	sor.u32 s1, s0  }
0xbc: {  	s0 =	sadd.s32 $0x8F2B, s0  }
0xbd: {  	[sflag:s0] =	ssyncadd.remote.s32 $0x1  }
0xbe: {  	_ =	sfence.sel $0xFFFF  }
0xbf: {  	[dreg:$0x0] =	wrdreg $0xFFFFFFFF;
	(pc) =	sbr.abs _section_cstart, $3  }
0xc0: {  	[dreg:$0x1] =	wrdreg $0xFFFFFFFF  }
0xc1: {  	_ =	task.clear_ibuf [dreg:s6], $0x2FFFF;
	_ =	strace $0x9FFFFFFF  }
0xc2: {  	(tm) =	ssettm $0x7FFFFFFF  }
0xc3: {  	_ =	shalt  }
tec
execute0_lowered:
.L_overlay_start_1:
0x0: {  	(tag) =	ssettag $0x1  }
0x1: {  	s6 =	rddreg [dreg:$0x0]  }
0x2: {  	s2 =	rddreg [dreg:$0x1]  }
0x3: {  	s0 =	srdreg.scid;
	s1 =	rddreg [dreg:$0x2]  }
0x4: {  	s3 =	simm.s32 $0x0;
	s12 =	simm.s32 $0x2;
	s5 =	sand.u32 $0x1, s0  }
0x5: {  	s13 =	simm.s32 $0x50;
	s0 =	stileid.u32;
	s4 =	smul.u32 $0x27100, s5  }
0x6: {  	s14 =	simm.s32 $0xA0;
	s15 =	simm.s32 $0x1;
	s7 =	smul.u32 $0x2710, s0  }
0x7: {  	s16 =	simm.s32 $0x0;
	[smem:$0x7FF] =	sst s3;
	s8 =	smul.u32 $0xA000, s0  }
0x8: {  	s9 =	smul.u32 $0xA0000, s5;
	_ =	strace $0x8000004A;
	s29 =	ssub.s32 $0x2, s5  }
0x9: {  	s5 =	sadd.s32 $0x2BA00, s6;
	s30 =	sshll.u32 s0, $0x6;
	s11 =	sshrl.u32 s29, $0x1  }
0xa: {  	s7 =	sadd.s32 s7, s4;
	s4 =	sadd.s32 $0x18000, s6;
	s28 =	sadd.s32 s8, s9  }
0xb: {  	s9 =	ssub.s32 s29, s11;
	s31 =	sadd.s32 s8, s2;
	s7 =	sshrl.u32 s7, $0x3  }
0xc: {  	s8 =	smax.u32 s9, $0x1;
	s10 =	sadd.s32 s7, s6;
	s7 =	sshrl.u32 s28, $0x3  }
0xd: {  	s11 =	sshrl.u32 s31, $0x3;
	s7 =	sadd.s32 s7, s6;
	s6 =	sor.u32 $0x1C02, s30  }
0xe: {  	s9 =	sadd.s32 $0x4400, s10;
	s10 =	sadd.s32 $0xE200, s10;
	s7 =	sadd.s32 $0x2CE00, s7  }
.LBB2_1:
0xf: {  	[spmem:s11], [sflag:s6] =	dma.local [hbm:s5], $0x1400  }
0x10: {  	_ =	swait.ge [sflag:s12], $0x1400  }
0x11: {  	[sflag:s12] =	ssyncset.done $0x0  }
0x12: {  	[sflag:s12] =	ssyncadd.s32 $0xFFFFEC00  }
0x13: {  	s17 =	sadd.s32 $0x0, s10;
	[bflag:$0x0] =	sbarrier.arrive $0xFFFF  }
0x14: {  	[tilespmem:s3], [sflag:$0x2] =	stream.linear.gather [hbm4b:s17+s3], $0x50, $0x38;
	[tilespmem:$0xB4A0] =	vst v63  }
0x15: {  	_ =	swait.ge [sflag:s12], $0x50  }
0x16: {  	[sflag:s12] =	ssyncset.done $0x0  }
0x17: {  	s31 =	sadd.s32 $0x0, s9;
	[sflag:s12] =	ssyncadd.s32 $0xFFFFFFB0  }
0x18: {  	[tilespmem:s13], [sflag:$0x2] =	stream.linear.gather [hbm4b:s31+s3], $0x50, $0x38;
	[tilespmem:$0xB4A0] =	vst v63  }
0x19: {  	_ =	swait.ge [sflag:s12], $0x50  }
0x1a: {  	[sflag:s12] =	ssyncset.done $0x0  }
0x1b: {  	[sflag:s12] =	ssyncadd.s32 $0xFFFFFFB0  }
0x1c: {  	[tilespmem:s14], [sflag:$0x1] =	stream.indirect.gather [hbm4b:s4+s13], $0x40, s3, s13, $0xb8;
	[tilespmem:$0xB4A0] =	vst v63  }
0x1d: {  	_ =	swait.ge [sflag:s15], $0x1400  }
0x1e: {  	[sflag:s15] =	ssyncset.done $0x0  }
0x1f: {  	[sflag:s15] =	ssyncadd.s32 $0xFFFFEC00  }
0x20: {  	[spmem:s2] =	stream.indirect.scatter.add.f32 [tilespmem:s14], [sflag:$0x2], $0x40, s13, s13, $0xb8;
	[tilespmem:$0xB4A0] =	vst v63  }
0x21: {  	_ =	swait.ge [sflag:s12], $0x1400  }
0x22: {  	s18 =	simm.s32 $0x14;
	s17 =	simm.s32 $0xA;
	[sflag:s12] =	ssyncset.done $0x0  }
.LBB2_2:
0x23: {  	s19 =	sadd.s32 s17, s10  }
0x24: {  	[sflag:s12] =	ssyncadd.s32 $0xFFFFEC00;
	s20 =	smov.u32 s18;
	s21 =	sadd.s32 $0xA, s18  }
0x25: {  	[tilespmem:s3], [sflag:$0x2] =	stream.linear.gather [hbm4b:s19+s3], $0x50, $0x38;
	[tilespmem:$0xB4A0] =	vst v63  }
0x26: {  	p0 =	sne.s32 s18, $0x4D8;
	_ =	swait.ge [sflag:s12], $0x50  }
0x27: {  	[sflag:s12] =	ssyncset.done $0x0  }
0x28: {  	s18 =	sadd.s32 s17, s9;
	s17 =	smov.u32 s20;
	[sflag:s12] =	ssyncadd.s32 $0xFFFFFFB0  }
0x29: {  	[tilespmem:s13], [sflag:$0x2] =	stream.linear.gather [hbm4b:s18+s3], $0x50, $0x38;
	[tilespmem:$0xB4A0] =	vst v63  }
0x2a: {  	_ =	swait.ge [sflag:s12], $0x50  }
0x2b: {  	[sflag:s12] =	ssyncset.done $0x0  }
0x2c: {  	[sflag:s12] =	ssyncadd.s32 $0xFFFFFFB0  }
0x2d: {  	[tilespmem:s14], [sflag:$0x1] =	stream.indirect.gather [hbm4b:s4+s13], $0x40, s3, s13, $0xb8;
	[tilespmem:$0xB4A0] =	vst v63  }
0x2e: {  	_ =	swait.ge [sflag:s15], $0x1400  }
.Ltmp0:
0x2f: {  	[sflag:s15] =	ssyncset.done $0x0;
	(pc) =	sbr.rel @p0 .LBB2_2-.Ltmp0, $4  }
0x30: {  	[sflag:s15] =	ssyncadd.s32 $0xFFFFEC00  }
0x31: {  	[spmem:s2] =	stream.indirect.scatter.add.f32 [tilespmem:s14], [sflag:$0x2], $0x40, s13, s13, $0xb8;
	[tilespmem:$0xB4A0] =	vst v63  }
0x32: {  	_ =	swait.ge [sflag:s12], $0x1400  }
0x33: {  	s18 =	smov.u32 s21;
	[sflag:s12] =	ssyncset.done $0x0  }
0x34: {  	s18 =	sadd.s32 s17, s10;
	[sflag:s12] =	ssyncadd.s32 $0xFFFFEC00  }
0x35: {  	[tilespmem:s3], [sflag:$0x2] =	stream.linear.gather [hbm4b:s18+s3], $0x50, $0x38;
	[tilespmem:$0xB4A0] =	vst v63  }
0x36: {  	_ =	swait.ge [sflag:s12], $0x50  }
0x37: {  	[sflag:s12] =	ssyncset.done $0x0  }
0x38: {  	s31 =	sadd.s32 s17, s9;
	[sflag:s12] =	ssyncadd.s32 $0xFFFFFFB0  }
0x39: {  	[tilespmem:s13], [sflag:$0x2] =	stream.linear.gather [hbm4b:s31+s3], $0x50, $0x38;
	[tilespmem:$0xB4A0] =	vst v63  }
0x3a: {  	_ =	swait.ge [sflag:s12], $0x50  }
0x3b: {  	[sflag:s12] =	ssyncset.done $0x0  }
0x3c: {  	[sflag:s12] =	ssyncadd.s32 $0xFFFFFFB0  }
0x3d: {  	[tilespmem:s14], [sflag:$0x1] =	stream.indirect.gather [hbm4b:s4+s13], $0x40, s3, s13, $0xb8;
	[tilespmem:$0xB4A0] =	vst v63  }
0x3e: {  	_ =	swait.ge [sflag:s15], $0x1400  }
0x3f: {  	[sflag:s15] =	ssyncset.done $0x0  }
0x40: {  	[sflag:s15] =	ssyncadd.s32 $0xFFFFEC00  }
0x41: {  	[spmem:s2] =	stream.indirect.scatter.add.f32 [tilespmem:s14], [sflag:$0x2], $0x40, s13, s13, $0xb8;
	[tilespmem:$0xB4A0] =	vst v63  }
0x42: {  	_ =	swait.ge [sflag:s12], $0x1400  }
0x43: {  	s16 =	sadd.s32 $0x1, s16;
	[sflag:s12] =	ssyncset.done $0x0  }
0x44: {  	p0 =	sne.s32 s16, s8;
	[sflag:s12] =	ssyncadd.s32 $0xFFFFEC00  }
.Ltmp1:
0x45: {  	[bflag:$0x0] =	sbarrier.arrive $0xFFFF;
	(pc) =	sbr.rel @p0 .LBB2_1-.Ltmp1, $4  }
0x46: {  	[hbm:s7], [sflag:s6] =	dma.local [spmem:s11], $0x1400  }
0x47: {  	_ =	swait.ge [sflag:s12], $0x1400  }
0x48: {  	[sflag:s12] =	ssyncset.done $0x0  }
0x49: {  	[sflag:s12] =	ssyncadd.s32 $0xFFFFEC00  }
0x4a: {  	_ =	sfence.sel $0x180000  }
0x4b: {  	[bflag:$0x0] =	sbarrier.arrive $0xFFFF  }
0x4c: {  	p0 =	sne.s32 s0, $0x0;
	_ =	strace $0x9000004A  }
0x4d: {  	s0 =	sadd.s32 @!p0 $0x100000, s1;
	[bflag:$0x2] =	sbarrier.arrive $0xFFFF  }
0x4e: {  	[sflag:s0] =	ssyncadd.tile.s32 @!p0 $0x1;
	_ =	shalt  }
.Lfunc_end2:
_tile_overlayer_lowered:
.L_overlay_start_2:
0x4f: {  	(tag) =	ssettag $0x2  }
0x50: {  	s0 =	rddreg [dreg:$0x0];
	s2 =	stileid.u32  }
0x51: {  	s1 =	rddreg [dreg:$0x1];
	p0 =	sne.s32 s2, $0x0  }
0x52: {  	s3 =	rddreg [dreg:$0x2];
	[bflag:$0x3] =	sbarrier.arrive $0xFFFF;
	s2 =	simm.s32 @!p0 $0x1C02  }
0x53: {  	[timem:s3], [sflag:s2] =	dma.local @!p0 [hbm:s0], s1  }
0x54: {  	s0 =	simm.s32 @!p0 $0x2  }
0x55: {  	_ =	swait.ge @!p0 [sflag:s0], s1  }
0x56: {  	s1 =	ssub.s32 @!p0 $0x0, s1;
	[sflag:s0] =	ssyncset.done @!p0 $0x0  }
0x57: {  	[sflag:s0] =	ssyncadd.s32 @!p0 s1  }
0x58: {  	[bflag:$0x3] =	sbarrier.arrive $0xFFFF  }
0x59: {  	_ =	shalt  }

// kernel: kernel.21.cloned.1.call-start
scs
__scs_entry_jumppad:
0x0: {  	(pc) =	sbr.rel $0x88, $3  }
0x1: {  	(tag) =	ssettag $0x0;
	lr =	simm.s32 $0x1  }
0x2: {  	[smem:$0x3F88] =	sst lr;
	_ =	strace $0xD0000000  }
0x3: {  	_ = 	snop  }
0x4: {  	_ = 	snop  }
0x5: {  	_ = 	snop  }
0x6: {  	_ = 	snop  }
0x7: {  	_ = 	snop  }
__scs_overlays_trampoline_lowered:
0x8: {  	[smem:$0x3F97] =	sst s0  }
0x9: {  	[smem:$0x3F98] =	sst s1  }
0xa: {  	[smem:$0x3F99] =	sst s2  }
0xb: {  	[smem:$0x3F9A] =	sst s3  }
0xc: {  	[smem:$0x3F9B] =	sst s4  }
0xd: {  	[smem:$0x3F9C] =	sst s5  }
0xe: {  	[smem:$0x3F9D] =	sst s6  }
0xf: {  	[smem:$0x3F9E] =	sst s7  }
0x10: {  	[smem:$0x3F9F] =	sst s8  }
0x11: {  	[smem:$0x3FA0] =	sst s9;
	s0 =	simm.s32 @!p0 $0x0  }
0x12: {  	s1 =	sld [smem:$0x3F86];
	s0 =	simm.s32 @p0 $0x1  }
0x13: {  	[smem:$0x3FA1] =	sst s0;
	s0 =	simm.s32 @!p1 $0x0  }
0x14: {  	s2 =	sld [smem:$0x3F85];
	s0 =	simm.s32 @p1 $0x1  }
0x15: {  	[smem:$0x3FA2] =	sst s0;
	s0 =	simm.s32 @!p2 $0x0  }
0x16: {  	s3 =	sld [smem:$0x3FDB];
	s0 =	simm.s32 @p2 $0x1  }
0x17: {  	s4 =	simm.s32 $0x1BF5;
	[smem:$0x3FA4] =	sst s0  }
0x18: {  	s0 =	sld [smem:$0x3F87];
	_ =	swait.ge [sflag:s4], $0x0  }
0x19: {  	s7 =	sld [smem:$0x3F88]  }
0x1a: {  	s8 =	sadd.s32 $0xFFFFE003, lr  }
0x1b: {  	s9 =	sadd.s32 $0xFFFFFEF7, lr;
	s5 =	simm.s32 $0xFFFFFFFF;
	p2 =	slt.u32 s8, $0xFFFFF086  }
0x1c: {  	p1 =	slt.u32 s9, $0xF7A;
	s5 =	simm.s32 @!p2 $0x0  }
0x1d: {  	s5 =	simm.s32 @p1 $0x1;
	p0 =	seq.s32 s7, s2  }
0x1e: {  	s7 =	smul.u32 @!p0 $0xF7A, s2;
	p2 =	seq.s32 @!p0 s5, $0x0  }
0x1f: {  	s9 =	smul.u32 $0xF7A, s1;
	s8 =	simm.s32 @!p0 $0x1BF5;
	p2 =	por !p2, p0  }
0x20: {  	[sflag:s8] =	ssyncset.s32 @!p0 $0xFFFFF086;
	s6 =	sadd.s32 @!p0 s3, s7;
	s7 =	simm.s32 @!p0 $0x108  }
0x21: {  	s3 =	sadd.s32 s3, s9;
	s6 =	sadd.s32 @!p0 $0x88, s6;
	s7 =	simm.s32 @p2 $0x1082  }
0x22: {  	[simem:s7], [sflag:s8] =	dma.local @!p0 [hbm:s6], $0xF7A  }
0x23: {  	s9 =	sor.u32 $0xD0000000, s2;
	s6 =	simm.s32 $0x108;
	_ =	swait.ge @!p0 [sflag:s8], $0x0  }
0x24: {  	s3 =	sadd.s32 $0x88, s3;
	s6 =	simm.s32 @!p1 $0x1082;
	[sflag:s4] =	ssyncset.s32 $0xFFFFF086  }
0x25: {  	[simem:s6], [sflag:s4] =	dma.local [hbm:s3], $0xF7A  }
0x26: {  	[smem:$0x3F88] =	sst s1;
	(tag) =	ssettag s2;
	_ =	strace s9  }
0x27: {  	s1 =	sld [smem:$0x3F98]  }
0x28: {  	s2 =	sld [smem:$0x3F99]  }
0x29: {  	s4 =	sld [smem:$0x3F9B]  }
0x2a: {  	p0 =	seq.s32 s5, $0x0;
	s5 =	sld [smem:$0x3F9C]  }
0x2b: {  	s6 =	sld [smem:$0x3F9D]  }
0x2c: {  	s7 =	sld [smem:$0x3F9E]  }
0x2d: {  	s3 =	simm.s32 $0x108;
	s8 =	sld [smem:$0x3F9F]  }
0x2e: {  	s3 =	simm.s32 @!p0 $0x1082;
	s9 =	sld [smem:$0x3FA0]  }
0x2f: {  	lr =	sadd.s32 s0, s3;
	s0 =	sld [smem:$0x3F97]  }
0x30: {  	s3 =	sld [smem:$0x3F9A]  }
0x31: {  	[smem:$0x3FA3] =	sst s10  }
0x32: {  	s10 =	sld [smem:$0x3FA1];
	_ =	sdelay $0x3  }
0x33: {  	p0 =	seq.s32 s10, $0x1;
	s10 =	sld [smem:$0x3FA3];
	_ =	sdelay $0x3  }
0x34: {  	[smem:$0x3FA3] =	sst s10  }
0x35: {  	s10 =	sld [smem:$0x3FA2];
	_ =	sdelay $0x3  }
0x36: {  	p1 =	seq.s32 s10, $0x1;
	s10 =	sld [smem:$0x3FA3];
	_ =	sdelay $0x3  }
0x37: {  	[smem:$0x3FA3] =	sst s10  }
0x38: {  	s10 =	sld [smem:$0x3FA4]  }
0x39: {  	_ = 	snop;
	(pc) =	sbr.ind lr, $3  }
0x3a: {  	_ = 	snop  }
0x3b: {  	_ = 	snop  }
0x3c: {  	p2 =	seq.s32 s10, $0x1;
	s10 =	sld [smem:$0x3FA3]  }
0x3d: {  	_ =	shalt  }
0x3e: {  	_ =	shalt  }
0x3f: {  	_ =	shalt  }
0x40: {  	_ =	shalt  }
0x41: {  	_ =	shalt  }
0x42: {  	_ =	shalt  }
0x43: {  	_ =	shalt  }
0x44: {  	_ =	shalt  }
0x45: {  	_ =	shalt  }
0x46: {  	_ =	shalt  }
0x47: {  	_ =	shalt  }
0x48: {  	_ =	shalt  }
0x49: {  	_ =	shalt  }
0x4a: {  	_ =	shalt  }
0x4b: {  	_ =	shalt  }
0x4c: {  	_ =	shalt  }
0x4d: {  	_ =	shalt  }
0x4e: {  	_ =	shalt  }
0x4f: {  	_ =	shalt  }
0x50: {  	_ =	shalt  }
0x51: {  	_ =	shalt  }
0x52: {  	_ =	shalt  }
0x53: {  	_ =	shalt  }
0x54: {  	_ =	shalt  }
0x55: {  	_ =	shalt  }
0x56: {  	_ =	shalt  }
0x57: {  	_ =	shalt  }
0x58: {  	_ =	shalt  }
0x59: {  	_ =	shalt  }
0x5a: {  	_ =	shalt  }
0x5b: {  	_ =	shalt  }
0x5c: {  	_ =	shalt  }
0x5d: {  	_ =	shalt  }
0x5e: {  	_ =	shalt  }
0x5f: {  	_ =	shalt  }
0x60: {  	_ =	shalt  }
0x61: {  	_ =	shalt  }
0x62: {  	_ =	shalt  }
0x63: {  	_ =	shalt  }
0x64: {  	_ =	shalt  }
0x65: {  	_ =	shalt  }
0x66: {  	_ =	shalt  }
0x67: {  	_ =	shalt  }
0x68: {  	_ =	shalt  }
0x69: {  	_ =	shalt  }
0x6a: {  	_ =	shalt  }
0x6b: {  	_ =	shalt  }
0x6c: {  	_ =	shalt  }
0x6d: {  	_ =	shalt  }
0x6e: {  	_ =	shalt  }
0x6f: {  	_ =	shalt  }
0x70: {  	_ =	shalt  }
0x71: {  	_ =	shalt  }
0x72: {  	_ =	shalt  }
0x73: {  	_ =	shalt  }
0x74: {  	_ =	shalt  }
0x75: {  	_ =	shalt  }
0x76: {  	_ =	shalt  }
0x77: {  	_ =	shalt  }
0x78: {  	_ =	shalt  }
0x79: {  	_ =	shalt  }
0x7a: {  	_ =	shalt  }
0x7b: {  	_ =	shalt  }
0x7c: {  	_ =	shalt  }
0x7d: {  	_ =	shalt  }
0x7e: {  	_ =	shalt  }
0x7f: {  	_ =	shalt  }
0x80: {  	_ =	shalt  }
0x81: {  	_ =	shalt  }
0x82: {  	_ =	shalt  }
0x83: {  	_ =	shalt  }
0x84: {  	_ =	shalt  }
0x85: {  	_ =	shalt  }
0x86: {  	_ =	shalt  }
0x87: {  	_ =	shalt  }
.Lfunc_end0:
.L_simem_size_0:
called_computation.2_lowered:
.L_overlay_start_0:
0x88: {  	s2 =	sld [smem:$0x3FD9]  }
0x89: {  	s3 =	sld [smem:$0x3FFE];
	_ =	sdelay $0x1  }
0x8a: {  	s1 =	srdreg.scid  }
0x8b: {  	s0 =	sand.u32 $0x1, s1  }
0x8c: {  	s16 =	sshll.u32 s0, $0xA;
	s2 =	sadd.s32 s3, s2  }
0x8d: {  	s2 =	sadd.s32 s2, s16  }
0x8e: {  	[smem:$0x3FAF] =	sst s2  }
0x8f: {  	_ = 	snop  }
0x90: {  	(tm) =	ssettm $0x1  }
0x91: {  	s17 =	sld [smem:$0x3FFB];
	_ =	sdelay $0x3  }
0x92: {  	_ =	strace s17  }
0x93: {  	s2 =	sld [smem:$0x3FFC];
	_ =	sdelay $0x3  }
0x94: {  	_ =	strace s2  }
0x95: {  	s2 =	sld [smem:$0x3FFD];
	_ =	sdelay $0x3  }
0x96: {  	_ =	strace s2  }
0x97: {  	_ =	strace $0x8FFFFFFF  }
0x98: {  	s18 =	sld [smem:$0x3FDB];
	_ =	sdelay $0x1  }
0x99: {  	s19 =	simm.s32 $_scs_section_size  }
0x9a: {  	s4 =	simm.s32 $_size__tile_overlayer_lowered;
	s5 =	simm.s32 $_tile_overlayer_lowered  }
0x9b: {  	s22 =	simm.s32 $0x1BFF;
	s21 =	sshll.u32 s5, $0x1;
	s2 =	sadd.s32 s19, s18  }
0x9c: {  	s6 =	simm.s32 $0x0;
	s20 =	sshll.u32 s4, $0x1;
	s4 =	sadd.s32 s21, s2  }
0x9d: {  	[timem:s6], [sflag:s22] =	dma.local [hbm:s4], s20  }
0x9e: {  	_ =	swait.ge [sflag:s22], s20  }
0x9f: {  	s3 =	ssub.s32 $0x0, s20;
	[sflag:s22] =	ssyncset.done $0x0  }
0xa0: {  	[sflag:s22] =	ssyncadd.s32 s3;
	_ =	sdelay $0x1  }
0xa1: {  	s23 =	simm.s32 $0x1B8B  }
0xa2: {  	_ =	swait.ge [sflag:s23], $0x1  }
0xa3: {  	[sflag:s23] =	ssyncset.done $0x0  }
0xa4: {  	s25 =	simm.s32 $0x1B8E;
	s24 =	sld [smem:$0x3FFE];
	[sflag:s23] =	ssyncadd.s32 $0xFFFFFFFF  }
0xa5: {  	s26 =	simm.s32 $execute0_lowered;
	[smem:$0x3FD2] =	sst s25  }
0xa6: {  	s4 =	sshll.u32 s26, $0x1;
	_ =	strace $0x8000004C;
	[dreg:$0x1] =	wrdreg $0xFFFFFFFF  }
0xa7: {  	s28 =	simm.s32 $_size_execute0_lowered;
	s2 =	sadd.s32 s2, s4;
	[dreg:$0x0] =	wrdreg $0x0  }
0xa8: {  	s4 =	sshll.u32 s28, $0x1;
	[dreg:$0x2] =	wrdreg s2  }
0xa9: {  	[dreg:$0x3] =	wrdreg s4  }
0xaa: {  	[dreg:$0x4] =	wrdreg $0xC0  }
0xab: {  	_ =	task [dreg:s6], $0x5FFFF  }
0xac: {  	[dreg:$0x1] =	wrdreg $0xFFFFFFFF  }
0xad: {  	[dreg:$0x0] =	wrdreg $0x60  }
0xae: {  	[dreg:$0x2] =	wrdreg s24  }
0xaf: {  	[dreg:$0x3] =	wrdreg $0x14A00  }
0xb0: {  	[dreg:$0x4] =	wrdreg $0x9  }
0xb1: {  	_ =	task.clear_ibuf [dreg:s6], $0x5FFFF;
	_ =	strace $0x9000004C  }
0xb2: {  	s29 =	simm.s32 $0x9;
	_ =	strace $0x8000004E  }
0xb3: {  	_ =	swait.ge [sflag:s29], $0x1  }
0xb4: {  	[sflag:s29] =	ssyncadd.s32 $0xFFFFFFFF  }
0xb5: {  	_ =	strace $0x9000004E  }
0xb6: {  	_ =	sfence  }
0xb7: {  	s30 =	sld [smem:$0x0];
	_ =	sdelay $0x2  }
0xb8: {  	s31 =	sshll.u32 s1, $0xD;
	s1 =	sshrl.u32 s1, $0x2  }
0xb9: {  	s3 =	sand.u32 $0x4000, s31;
	s1 =	sadd.s32 s1, s30  }
0xba: {  	s0 =	sor.u32 s3, s0;
	s1 =	sshll.u32 s1, $0x11  }
0xbb: {  	s0 =	sor.u32 s1, s0  }
0xbc: {  	s0 =	sadd.s32 $0x8F2B, s0  }
0xbd: {  	[sflag:s0] =	ssyncadd.remote.s32 $0x1  }
0xbe: {  	_ =	sfence.sel $0xFFFF  }
0xbf: {  	[dreg:$0x0] =	wrdreg $0xFFFFFFFF;
	(pc) =	sbr.abs _section_cstart, $3  }
0xc0: {  	[dreg:$0x1] =	wrdreg $0xFFFFFFFF  }
0xc1: {  	_ =	task.clear_ibuf [dreg:s6], $0x2FFFF;
	_ =	strace $0x9FFFFFFF  }
0xc2: {  	(tm) =	ssettm $0x7FFFFFFF  }
0xc3: {  	_ =	shalt  }
tec
execute0_lowered:
.L_overlay_start_1:
0x0: {  	(tag) =	ssettag $0x1  }
0x1: {  	s6 =	rddreg [dreg:$0x0]  }
0x2: {  	s2 =	rddreg [dreg:$0x1]  }
0x3: {  	s0 =	srdreg.scid;
	s1 =	rddreg [dreg:$0x2]  }
0x4: {  	s3 =	simm.s32 $0x0;
	s12 =	simm.s32 $0x2;
	s5 =	sand.u32 $0x1, s0  }
0x5: {  	s13 =	simm.s32 $0x50;
	s0 =	stileid.u32;
	s4 =	smul.u32 $0x27100, s5  }
0x6: {  	s14 =	simm.s32 $0xA0;
	s15 =	simm.s32 $0x1;
	s7 =	smul.u32 $0x2710, s0  }
0x7: {  	s16 =	simm.s32 $0x0;
	[smem:$0x7FF] =	sst s3;
	s8 =	smul.u32 $0xA000, s0  }
0x8: {  	s9 =	smul.u32 $0xA0000, s5;
	_ =	strace $0x8000004D;
	s29 =	ssub.s32 $0x2, s5  }
0x9: {  	s5 =	sadd.s32 $0x2BA00, s6;
	s30 =	sshll.u32 s0, $0x6;
	s11 =	sshrl.u32 s29, $0x1  }
0xa: {  	s7 =	sadd.s32 s7, s4;
	s4 =	sadd.s32 $0x18000, s6;
	s28 =	sadd.s32 s8, s9  }
0xb: {  	s9 =	ssub.s32 s29, s11;
	s31 =	sadd.s32 s8, s2;
	s7 =	sshrl.u32 s7, $0x3  }
0xc: {  	s8 =	smax.u32 s9, $0x1;
	s10 =	sadd.s32 s7, s6;
	s7 =	sshrl.u32 s28, $0x3  }
0xd: {  	s11 =	sshrl.u32 s31, $0x3;
	s7 =	sadd.s32 s7, s6;
	s6 =	sor.u32 $0x1C02, s30  }
0xe: {  	s9 =	sadd.s32 $0x4400, s10;
	s10 =	sadd.s32 $0xE200, s10;
	s7 =	sadd.s32 $0x2CE00, s7  }
.LBB2_1:
0xf: {  	[spmem:s11], [sflag:s6] =	dma.local [hbm:s5], $0x1400  }
0x10: {  	_ =	swait.ge [sflag:s12], $0x1400  }
0x11: {  	[sflag:s12] =	ssyncset.done $0x0  }
0x12: {  	[sflag:s12] =	ssyncadd.s32 $0xFFFFEC00  }
0x13: {  	s17 =	sadd.s32 $0x0, s10;
	[bflag:$0x0] =	sbarrier.arrive $0xFFFF  }
0x14: {  	[tilespmem:s3], [sflag:$0x2] =	stream.linear.gather [hbm4b:s17+s3], $0x50, $0x38;
	[tilespmem:$0xB4A0] =	vst v63  }
0x15: {  	_ =	swait.ge [sflag:s12], $0x50  }
0x16: {  	[sflag:s12] =	ssyncset.done $0x0  }
0x17: {  	s31 =	sadd.s32 $0x0, s9;
	[sflag:s12] =	ssyncadd.s32 $0xFFFFFFB0  }
0x18: {  	[tilespmem:s13], [sflag:$0x2] =	stream.linear.gather [hbm4b:s31+s3], $0x50, $0x38;
	[tilespmem:$0xB4A0] =	vst v63  }
0x19: {  	_ =	swait.ge [sflag:s12], $0x50  }
0x1a: {  	[sflag:s12] =	ssyncset.done $0x0  }
0x1b: {  	[sflag:s12] =	ssyncadd.s32 $0xFFFFFFB0  }
0x1c: {  	[tilespmem:s14], [sflag:$0x1] =	stream.indirect.gather [hbm4b:s4+s13], $0x40, s3, s13, $0xb8;
	[tilespmem:$0xB4A0] =	vst v63  }
0x1d: {  	_ =	swait.ge [sflag:s15], $0x1400  }
0x1e: {  	[sflag:s15] =	ssyncset.done $0x0  }
0x1f: {  	[sflag:s15] =	ssyncadd.s32 $0xFFFFEC00  }
0x20: {  	[spmem:s2] =	stream.indirect.scatter.add.f32 [tilespmem:s14], [sflag:$0x2], $0x40, s13, s13, $0xb8;
	[tilespmem:$0xB4A0] =	vst v63  }
0x21: {  	_ =	swait.ge [sflag:s12], $0x1400  }
0x22: {  	s18 =	simm.s32 $0x14;
	s17 =	simm.s32 $0xA;
	[sflag:s12] =	ssyncset.done $0x0  }
.LBB2_2:
0x23: {  	s19 =	sadd.s32 s17, s10  }
0x24: {  	[sflag:s12] =	ssyncadd.s32 $0xFFFFEC00;
	s20 =	smov.u32 s18;
	s21 =	sadd.s32 $0xA, s18  }
0x25: {  	[tilespmem:s3], [sflag:$0x2] =	stream.linear.gather [hbm4b:s19+s3], $0x50, $0x38;
	[tilespmem:$0xB4A0] =	vst v63  }
0x26: {  	p0 =	sne.s32 s18, $0x4D8;
	_ =	swait.ge [sflag:s12], $0x50  }
0x27: {  	[sflag:s12] =	ssyncset.done $0x0  }
0x28: {  	s18 =	sadd.s32 s17, s9;
	s17 =	smov.u32 s20;
	[sflag:s12] =	ssyncadd.s32 $0xFFFFFFB0  }
0x29: {  	[tilespmem:s13], [sflag:$0x2] =	stream.linear.gather [hbm4b:s18+s3], $0x50, $0x38;
	[tilespmem:$0xB4A0] =	vst v63  }
0x2a: {  	_ =	swait.ge [sflag:s12], $0x50  }
0x2b: {  	[sflag:s12] =	ssyncset.done $0x0  }
0x2c: {  	[sflag:s12] =	ssyncadd.s32 $0xFFFFFFB0  }
0x2d: {  	[tilespmem:s14], [sflag:$0x1] =	stream.indirect.gather [hbm4b:s4+s13], $0x40, s3, s13, $0xb8;
	[tilespmem:$0xB4A0] =	vst v63  }
0x2e: {  	_ =	swait.ge [sflag:s15], $0x1400  }
.Ltmp0:
0x2f: {  	[sflag:s15] =	ssyncset.done $0x0;
	(pc) =	sbr.rel @p0 .LBB2_2-.Ltmp0, $4  }
0x30: {  	[sflag:s15] =	ssyncadd.s32 $0xFFFFEC00  }
0x31: {  	[spmem:s2] =	stream.indirect.scatter.add.f32 [tilespmem:s14], [sflag:$0x2], $0x40, s13, s13, $0xb8;
	[tilespmem:$0xB4A0] =	vst v63  }
0x32: {  	_ =	swait.ge [sflag:s12], $0x1400  }
0x33: {  	s18 =	smov.u32 s21;
	[sflag:s12] =	ssyncset.done $0x0  }
0x34: {  	s18 =	sadd.s32 s17, s10;
	[sflag:s12] =	ssyncadd.s32 $0xFFFFEC00  }
0x35: {  	[tilespmem:s3], [sflag:$0x2] =	stream.linear.gather [hbm4b:s18+s3], $0x50, $0x38;
	[tilespmem:$0xB4A0] =	vst v63  }
0x36: {  	_ =	swait.ge [sflag:s12], $0x50  }
0x37: {  	[sflag:s12] =	ssyncset.done $0x0  }
0x38: {  	s31 =	sadd.s32 s17, s9;
	[sflag:s12] =	ssyncadd.s32 $0xFFFFFFB0  }
0x39: {  	[tilespmem:s13], [sflag:$0x2] =	stream.linear.gather [hbm4b:s31+s3], $0x50, $0x38;
	[tilespmem:$0xB4A0] =	vst v63  }
0x3a: {  	_ =	swait.ge [sflag:s12], $0x50  }
0x3b: {  	[sflag:s12] =	ssyncset.done $0x0  }
0x3c: {  	[sflag:s12] =	ssyncadd.s32 $0xFFFFFFB0  }
0x3d: {  	[tilespmem:s14], [sflag:$0x1] =	stream.indirect.gather [hbm4b:s4+s13], $0x40, s3, s13, $0xb8;
	[tilespmem:$0xB4A0] =	vst v63  }
0x3e: {  	_ =	swait.ge [sflag:s15], $0x1400  }
0x3f: {  	[sflag:s15] =	ssyncset.done $0x0  }
0x40: {  	[sflag:s15] =	ssyncadd.s32 $0xFFFFEC00  }
0x41: {  	[spmem:s2] =	stream.indirect.scatter.add.f32 [tilespmem:s14], [sflag:$0x2], $0x40, s13, s13, $0xb8;
	[tilespmem:$0xB4A0] =	vst v63  }
0x42: {  	_ =	swait.ge [sflag:s12], $0x1400  }
0x43: {  	s16 =	sadd.s32 $0x1, s16;
	[sflag:s12] =	ssyncset.done $0x0  }
0x44: {  	p0 =	sne.s32 s16, s8;
	[sflag:s12] =	ssyncadd.s32 $0xFFFFEC00  }
.Ltmp1:
0x45: {  	[bflag:$0x0] =	sbarrier.arrive $0xFFFF;
	(pc) =	sbr.rel @p0 .LBB2_1-.Ltmp1, $4  }
0x46: {  	[hbm:s7], [sflag:s6] =	dma.local [spmem:s11], $0x1400  }
0x47: {  	_ =	swait.ge [sflag:s12], $0x1400  }
0x48: {  	[sflag:s12] =	ssyncset.done $0x0  }
0x49: {  	[sflag:s12] =	ssyncadd.s32 $0xFFFFEC00  }
0x4a: {  	_ =	sfence.sel $0x180000  }
0x4b: {  	[bflag:$0x0] =	sbarrier.arrive $0xFFFF  }
0x4c: {  	p0 =	sne.s32 s0, $0x0;
	_ =	strace $0x9000004D  }
0x4d: {  	s0 =	sadd.s32 @!p0 $0x100000, s1;
	[bflag:$0x2] =	sbarrier.arrive $0xFFFF  }
0x4e: {  	[sflag:s0] =	ssyncadd.tile.s32 @!p0 $0x1;
	_ =	shalt  }
.Lfunc_end2:
_tile_overlayer_lowered:
.L_overlay_start_2:
0x4f: {  	(tag) =	ssettag $0x2  }
0x50: {  	s0 =	rddreg [dreg:$0x0];
	s2 =	stileid.u32  }
0x51: {  	s1 =	rddreg [dreg:$0x1];
	p0 =	sne.s32 s2, $0x0  }
0x52: {  	s3 =	rddreg [dreg:$0x2];
	[bflag:$0x3] =	sbarrier.arrive $0xFFFF;
	s2 =	simm.s32 @!p0 $0x1C02  }
0x53: {  	[timem:s3], [sflag:s2] =	dma.local @!p0 [hbm:s0], s1  }
0x54: {  	s0 =	simm.s32 @!p0 $0x2  }
0x55: {  	_ =	swait.ge @!p0 [sflag:s0], s1  }
0x56: {  	s1 =	ssub.s32 @!p0 $0x0, s1;
	[sflag:s0] =	ssyncset.done @!p0 $0x0  }
0x57: {  	[sflag:s0] =	ssyncadd.s32 @!p0 s1  }
0x58: {  	[bflag:$0x3] =	sbarrier.arrive $0xFFFF  }
0x59: {  	_ =	shalt  }

// kernel: kernel.24.cloned.1.call-start
scs
__scs_entry_jumppad:
0x0: {  	(pc) =	sbr.rel $0x88, $3  }
0x1: {  	(tag) =	ssettag $0x0;
	lr =	simm.s32 $0x1  }
0x2: {  	[smem:$0x3F88] =	sst lr;
	_ =	strace $0xD0000000  }
0x3: {  	_ = 	snop  }
0x4: {  	_ = 	snop  }
0x5: {  	_ = 	snop  }
0x6: {  	_ = 	snop  }
0x7: {  	_ = 	snop  }
__scs_overlays_trampoline_lowered:
0x8: {  	[smem:$0x3F97] =	sst s0  }
0x9: {  	[smem:$0x3F98] =	sst s1  }
0xa: {  	[smem:$0x3F99] =	sst s2  }
0xb: {  	[smem:$0x3F9A] =	sst s3  }
0xc: {  	[smem:$0x3F9B] =	sst s4  }
0xd: {  	[smem:$0x3F9C] =	sst s5  }
0xe: {  	[smem:$0x3F9D] =	sst s6  }
0xf: {  	[smem:$0x3F9E] =	sst s7  }
0x10: {  	[smem:$0x3F9F] =	sst s8  }
0x11: {  	[smem:$0x3FA0] =	sst s9;
	s0 =	simm.s32 @!p0 $0x0  }
0x12: {  	s1 =	sld [smem:$0x3F86];
	s0 =	simm.s32 @p0 $0x1  }
0x13: {  	[smem:$0x3FA1] =	sst s0;
	s0 =	simm.s32 @!p1 $0x0  }
0x14: {  	s2 =	sld [smem:$0x3F85];
	s0 =	simm.s32 @p1 $0x1  }
0x15: {  	[smem:$0x3FA2] =	sst s0;
	s0 =	simm.s32 @!p2 $0x0  }
0x16: {  	s3 =	sld [smem:$0x3FDB];
	s0 =	simm.s32 @p2 $0x1  }
0x17: {  	s4 =	simm.s32 $0x1BF5;
	[smem:$0x3FA4] =	sst s0  }
0x18: {  	s0 =	sld [smem:$0x3F87];
	_ =	swait.ge [sflag:s4], $0x0  }
0x19: {  	s7 =	sld [smem:$0x3F88]  }
0x1a: {  	s8 =	sadd.s32 $0xFFFFE003, lr  }
0x1b: {  	s9 =	sadd.s32 $0xFFFFFEF7, lr;
	s5 =	simm.s32 $0xFFFFFFFF;
	p2 =	slt.u32 s8, $0xFFFFF086  }
0x1c: {  	p1 =	slt.u32 s9, $0xF7A;
	s5 =	simm.s32 @!p2 $0x0  }
0x1d: {  	s5 =	simm.s32 @p1 $0x1;
	p0 =	seq.s32 s7, s2  }
0x1e: {  	s7 =	smul.u32 @!p0 $0xF7A, s2;
	p2 =	seq.s32 @!p0 s5, $0x0  }
0x1f: {  	s9 =	smul.u32 $0xF7A, s1;
	s8 =	simm.s32 @!p0 $0x1BF5;
	p2 =	por !p2, p0  }
0x20: {  	[sflag:s8] =	ssyncset.s32 @!p0 $0xFFFFF086;
	s6 =	sadd.s32 @!p0 s3, s7;
	s7 =	simm.s32 @!p0 $0x108  }
0x21: {  	s3 =	sadd.s32 s3, s9;
	s6 =	sadd.s32 @!p0 $0x88, s6;
	s7 =	simm.s32 @p2 $0x1082  }
0x22: {  	[simem:s7], [sflag:s8] =	dma.local @!p0 [hbm:s6], $0xF7A  }
0x23: {  	s9 =	sor.u32 $0xD0000000, s2;
	s6 =	simm.s32 $0x108;
	_ =	swait.ge @!p0 [sflag:s8], $0x0  }
0x24: {  	s3 =	sadd.s32 $0x88, s3;
	s6 =	simm.s32 @!p1 $0x1082;
	[sflag:s4] =	ssyncset.s32 $0xFFFFF086  }
0x25: {  	[simem:s6], [sflag:s4] =	dma.local [hbm:s3], $0xF7A  }
0x26: {  	[smem:$0x3F88] =	sst s1;
	(tag) =	ssettag s2;
	_ =	strace s9  }
0x27: {  	s1 =	sld [smem:$0x3F98]  }
0x28: {  	s2 =	sld [smem:$0x3F99]  }
0x29: {  	s4 =	sld [smem:$0x3F9B]  }
0x2a: {  	p0 =	seq.s32 s5, $0x0;
	s5 =	sld [smem:$0x3F9C]  }
0x2b: {  	s6 =	sld [smem:$0x3F9D]  }
0x2c: {  	s7 =	sld [smem:$0x3F9E]  }
0x2d: {  	s3 =	simm.s32 $0x108;
	s8 =	sld [smem:$0x3F9F]  }
0x2e: {  	s3 =	simm.s32 @!p0 $0x1082;
	s9 =	sld [smem:$0x3FA0]  }
0x2f: {  	lr =	sadd.s32 s0, s3;
	s0 =	sld [smem:$0x3F97]  }
0x30: {  	s3 =	sld [smem:$0x3F9A]  }
0x31: {  	[smem:$0x3FA3] =	sst s10  }
0x32: {  	s10 =	sld [smem:$0x3FA1];
	_ =	sdelay $0x3  }
0x33: {  	p0 =	seq.s32 s10, $0x1;
	s10 =	sld [smem:$0x3FA3];
	_ =	sdelay $0x3  }
0x34: {  	[smem:$0x3FA3] =	sst s10  }
0x35: {  	s10 =	sld [smem:$0x3FA2];
	_ =	sdelay $0x3  }
0x36: {  	p1 =	seq.s32 s10, $0x1;
	s10 =	sld [smem:$0x3FA3];
	_ =	sdelay $0x3  }
0x37: {  	[smem:$0x3FA3] =	sst s10  }
0x38: {  	s10 =	sld [smem:$0x3FA4]  }
0x39: {  	_ = 	snop;
	(pc) =	sbr.ind lr, $3  }
0x3a: {  	_ = 	snop  }
0x3b: {  	_ = 	snop  }
0x3c: {  	p2 =	seq.s32 s10, $0x1;
	s10 =	sld [smem:$0x3FA3]  }
0x3d: {  	_ =	shalt  }
0x3e: {  	_ =	shalt  }
0x3f: {  	_ =	shalt  }
0x40: {  	_ =	shalt  }
0x41: {  	_ =	shalt  }
0x42: {  	_ =	shalt  }
0x43: {  	_ =	shalt  }
0x44: {  	_ =	shalt  }
0x45: {  	_ =	shalt  }
0x46: {  	_ =	shalt  }
0x47: {  	_ =	shalt  }
0x48: {  	_ =	shalt  }
0x49: {  	_ =	shalt  }
0x4a: {  	_ =	shalt  }
0x4b: {  	_ =	shalt  }
0x4c: {  	_ =	shalt  }
0x4d: {  	_ =	shalt  }
0x4e: {  	_ =	shalt  }
0x4f: {  	_ =	shalt  }
0x50: {  	_ =	shalt  }
0x51: {  	_ =	shalt  }
0x52: {  	_ =	shalt  }
0x53: {  	_ =	shalt  }
0x54: {  	_ =	shalt  }
0x55: {  	_ =	shalt  }
0x56: {  	_ =	shalt  }
0x57: {  	_ =	shalt  }
0x58: {  	_ =	shalt  }
0x59: {  	_ =	shalt  }
0x5a: {  	_ =	shalt  }
0x5b: {  	_ =	shalt  }
0x5c: {  	_ =	shalt  }
0x5d: {  	_ =	shalt  }
0x5e: {  	_ =	shalt  }
0x5f: {  	_ =	shalt  }
0x60: {  	_ =	shalt  }
0x61: {  	_ =	shalt  }
0x62: {  	_ =	shalt  }
0x63: {  	_ =	shalt  }
0x64: {  	_ =	shalt  }
0x65: {  	_ =	shalt  }
0x66: {  	_ =	shalt  }
0x67: {  	_ =	shalt  }
0x68: {  	_ =	shalt  }
0x69: {  	_ =	shalt  }
0x6a: {  	_ =	shalt  }
0x6b: {  	_ =	shalt  }
0x6c: {  	_ =	shalt  }
0x6d: {  	_ =	shalt  }
0x6e: {  	_ =	shalt  }
0x6f: {  	_ =	shalt  }
0x70: {  	_ =	shalt  }
0x71: {  	_ =	shalt  }
0x72: {  	_ =	shalt  }
0x73: {  	_ =	shalt  }
0x74: {  	_ =	shalt  }
0x75: {  	_ =	shalt  }
0x76: {  	_ =	shalt  }
0x77: {  	_ =	shalt  }
0x78: {  	_ =	shalt  }
0x79: {  	_ =	shalt  }
0x7a: {  	_ =	shalt  }
0x7b: {  	_ =	shalt  }
0x7c: {  	_ =	shalt  }
0x7d: {  	_ =	shalt  }
0x7e: {  	_ =	shalt  }
0x7f: {  	_ =	shalt  }
0x80: {  	_ =	shalt  }
0x81: {  	_ =	shalt  }
0x82: {  	_ =	shalt  }
0x83: {  	_ =	shalt  }
0x84: {  	_ =	shalt  }
0x85: {  	_ =	shalt  }
0x86: {  	_ =	shalt  }
0x87: {  	_ =	shalt  }
.Lfunc_end0:
.L_simem_size_0:
called_computation.3_lowered:
.L_overlay_start_0:
0x88: {  	s2 =	sld [smem:$0x3FD9]  }
0x89: {  	s3 =	sld [smem:$0x3FFE];
	_ =	sdelay $0x1  }
0x8a: {  	s1 =	srdreg.scid  }
0x8b: {  	s0 =	sand.u32 $0x1, s1  }
0x8c: {  	s16 =	sshll.u32 s0, $0xA;
	s2 =	sadd.s32 s3, s2  }
0x8d: {  	s2 =	sadd.s32 s2, s16  }
0x8e: {  	[smem:$0x3FAF] =	sst s2  }
0x8f: {  	_ = 	snop  }
0x90: {  	(tm) =	ssettm $0x1  }
0x91: {  	s17 =	sld [smem:$0x3FFB];
	_ =	sdelay $0x3  }
0x92: {  	_ =	strace s17  }
0x93: {  	s2 =	sld [smem:$0x3FFC];
	_ =	sdelay $0x3  }
0x94: {  	_ =	strace s2  }
0x95: {  	s2 =	sld [smem:$0x3FFD];
	_ =	sdelay $0x3  }
0x96: {  	_ =	strace s2  }
0x97: {  	_ =	strace $0x8FFFFFFF  }
0x98: {  	s18 =	sld [smem:$0x3FDB];
	_ =	sdelay $0x1  }
0x99: {  	s19 =	simm.s32 $_scs_section_size  }
0x9a: {  	s4 =	simm.s32 $_size__tile_overlayer_lowered;
	s5 =	simm.s32 $_tile_overlayer_lowered  }
0x9b: {  	s22 =	simm.s32 $0x1BFF;
	s21 =	sshll.u32 s5, $0x1;
	s2 =	sadd.s32 s19, s18  }
0x9c: {  	s6 =	simm.s32 $0x0;
	s20 =	sshll.u32 s4, $0x1;
	s4 =	sadd.s32 s21, s2  }
0x9d: {  	[timem:s6], [sflag:s22] =	dma.local [hbm:s4], s20  }
0x9e: {  	_ =	swait.ge [sflag:s22], s20  }
0x9f: {  	s3 =	ssub.s32 $0x0, s20;
	[sflag:s22] =	ssyncset.done $0x0  }
0xa0: {  	[sflag:s22] =	ssyncadd.s32 s3;
	_ =	sdelay $0x1  }
0xa1: {  	s23 =	simm.s32 $0x1B8B  }
0xa2: {  	_ =	swait.ge [sflag:s23], $0x1  }
0xa3: {  	[sflag:s23] =	ssyncset.done $0x0  }
0xa4: {  	s25 =	simm.s32 $0x1B8E;
	s24 =	sld [smem:$0x3FFE];
	[sflag:s23] =	ssyncadd.s32 $0xFFFFFFFF  }
0xa5: {  	s26 =	simm.s32 $execute0_lowered;
	[smem:$0x3FD2] =	sst s25  }
0xa6: {  	s4 =	sshll.u32 s26, $0x1;
	_ =	strace $0x8000004F;
	[dreg:$0x1] =	wrdreg $0xFFFFFFFF  }
0xa7: {  	s28 =	simm.s32 $_size_execute0_lowered;
	s2 =	sadd.s32 s2, s4;
	[dreg:$0x0] =	wrdreg $0x0  }
0xa8: {  	s4 =	sshll.u32 s28, $0x1;
	[dreg:$0x2] =	wrdreg s2  }
0xa9: {  	[dreg:$0x3] =	wrdreg s4  }
0xaa: {  	[dreg:$0x4] =	wrdreg $0xC0  }
0xab: {  	_ =	task [dreg:s6], $0x5FFFF  }
0xac: {  	[dreg:$0x1] =	wrdreg $0xFFFFFFFF  }
0xad: {  	[dreg:$0x0] =	wrdreg $0x60  }
0xae: {  	[dreg:$0x2] =	wrdreg s24  }
0xaf: {  	[dreg:$0x3] =	wrdreg $0x14A00  }
0xb0: {  	[dreg:$0x4] =	wrdreg $0x9  }
0xb1: {  	_ =	task.clear_ibuf [dreg:s6], $0x5FFFF;
	_ =	strace $0x9000004F  }
0xb2: {  	s29 =	simm.s32 $0x9;
	_ =	strace $0x80000051  }
0xb3: {  	_ =	swait.ge [sflag:s29], $0x1  }
0xb4: {  	[sflag:s29] =	ssyncadd.s32 $0xFFFFFFFF  }
0xb5: {  	_ =	strace $0x90000051  }
0xb6: {  	_ =	sfence  }
0xb7: {  	s30 =	sld [smem:$0x0];
	_ =	sdelay $0x2  }
0xb8: {  	s31 =	sshll.u32 s1, $0xD;
	s1 =	sshrl.u32 s1, $0x2  }
0xb9: {  	s3 =	sand.u32 $0x4000, s31;
	s1 =	sadd.s32 s1, s30  }
0xba: {  	s0 =	sor.u32 s3, s0;
	s1 =	sshll.u32 s1, $0x11  }
0xbb: {  	s0 =	sor.u32 s1, s0  }
0xbc: {  	s0 =	sadd.s32 $0x8F2B, s0  }
0xbd: {  	[sflag:s0] =	ssyncadd.remote.s32 $0x1  }
0xbe: {  	_ =	sfence.sel $0xFFFF  }
0xbf: {  	[dreg:$0x0] =	wrdreg $0xFFFFFFFF;
	(pc) =	sbr.abs _section_cstart, $3  }
0xc0: {  	[dreg:$0x1] =	wrdreg $0xFFFFFFFF  }
0xc1: {  	_ =	task.clear_ibuf [dreg:s6], $0x2FFFF;
	_ =	strace $0x9FFFFFFF  }
0xc2: {  	(tm) =	ssettm $0x7FFFFFFF  }
0xc3: {  	_ =	shalt  }
tec
execute0_lowered:
.L_overlay_start_1:
0x0: {  	(tag) =	ssettag $0x1  }
0x1: {  	s6 =	rddreg [dreg:$0x0]  }
0x2: {  	s2 =	rddreg [dreg:$0x1]  }
0x3: {  	s0 =	srdreg.scid;
	s1 =	rddreg [dreg:$0x2]  }
0x4: {  	s3 =	simm.s32 $0x0;
	s12 =	simm.s32 $0x2;
	s5 =	sand.u32 $0x1, s0  }
0x5: {  	s13 =	simm.s32 $0x50;
	s0 =	stileid.u32;
	s4 =	smul.u32 $0x27100, s5  }
0x6: {  	s14 =	simm.s32 $0xA0;
	s15 =	simm.s32 $0x1;
	s7 =	smul.u32 $0x2710, s0  }
0x7: {  	s16 =	simm.s32 $0x0;
	[smem:$0x7FF] =	sst s3;
	s8 =	smul.u32 $0xA000, s0  }
0x8: {  	s9 =	smul.u32 $0xA0000, s5;
	_ =	strace $0x80000050;
	s29 =	ssub.s32 $0x2, s5  }
0x9: {  	s5 =	sadd.s32 $0x2BA00, s6;
	s30 =	sshll.u32 s0, $0x6;
	s11 =	sshrl.u32 s29, $0x1  }
0xa: {  	s7 =	sadd.s32 s7, s4;
	s4 =	sadd.s32 $0x18000, s6;
	s28 =	sadd.s32 s8, s9  }
0xb: {  	s9 =	ssub.s32 s29, s11;
	s31 =	sadd.s32 s8, s2;
	s7 =	sshrl.u32 s7, $0x3  }
0xc: {  	s8 =	smax.u32 s9, $0x1;
	s10 =	sadd.s32 s7, s6;
	s7 =	sshrl.u32 s28, $0x3  }
0xd: {  	s11 =	sshrl.u32 s31, $0x3;
	s7 =	sadd.s32 s7, s6;
	s6 =	sor.u32 $0x1C02, s30  }
0xe: {  	s9 =	sadd.s32 $0x4400, s10;
	s10 =	sadd.s32 $0xE200, s10;
	s7 =	sadd.s32 $0x2CE00, s7  }
.LBB2_1:
0xf: {  	[spmem:s11], [sflag:s6] =	dma.local [hbm:s5], $0x1400  }
0x10: {  	_ =	swait.ge [sflag:s12], $0x1400  }
0x11: {  	[sflag:s12] =	ssyncset.done $0x0  }
0x12: {  	[sflag:s12] =	ssyncadd.s32 $0xFFFFEC00  }
0x13: {  	s17 =	sadd.s32 $0x0, s10;
	[bflag:$0x0] =	sbarrier.arrive $0xFFFF  }
0x14: {  	[tilespmem:s3], [sflag:$0x2] =	stream.linear.gather [hbm4b:s17+s3], $0x50, $0x38;
	[tilespmem:$0xB4A0] =	vst v63  }
0x15: {  	_ =	swait.ge [sflag:s12], $0x50  }
0x16: {  	[sflag:s12] =	ssyncset.done $0x0  }
0x17: {  	s31 =	sadd.s32 $0x0, s9;
	[sflag:s12] =	ssyncadd.s32 $0xFFFFFFB0  }
0x18: {  	[tilespmem:s13], [sflag:$0x2] =	stream.linear.gather [hbm4b:s31+s3], $0x50, $0x38;
	[tilespmem:$0xB4A0] =	vst v63  }
0x19: {  	_ =	swait.ge [sflag:s12], $0x50  }
0x1a: {  	[sflag:s12] =	ssyncset.done $0x0  }
0x1b: {  	[sflag:s12] =	ssyncadd.s32 $0xFFFFFFB0  }
0x1c: {  	[tilespmem:s14], [sflag:$0x1] =	stream.indirect.gather [hbm4b:s4+s13], $0x40, s3, s13, $0xb8;
	[tilespmem:$0xB4A0] =	vst v63  }
0x1d: {  	_ =	swait.ge [sflag:s15], $0x1400  }
0x1e: {  	[sflag:s15] =	ssyncset.done $0x0  }
0x1f: {  	[sflag:s15] =	ssyncadd.s32 $0xFFFFEC00  }
0x20: {  	[spmem:s2] =	stream.indirect.scatter.add.f32 [tilespmem:s14], [sflag:$0x2], $0x40, s13, s13, $0xb8;
	[tilespmem:$0xB4A0] =	vst v63  }
0x21: {  	_ =	swait.ge [sflag:s12], $0x1400  }
0x22: {  	s18 =	simm.s32 $0x14;
	s17 =	simm.s32 $0xA;
	[sflag:s12] =	ssyncset.done $0x0  }
.LBB2_2:
0x23: {  	s19 =	sadd.s32 s17, s10  }
0x24: {  	[sflag:s12] =	ssyncadd.s32 $0xFFFFEC00;
	s20 =	smov.u32 s18;
	s21 =	sadd.s32 $0xA, s18  }
0x25: {  	[tilespmem:s3], [sflag:$0x2] =	stream.linear.gather [hbm4b:s19+s3], $0x50, $0x38;
	[tilespmem:$0xB4A0] =	vst v63  }
0x26: {  	p0 =	sne.s32 s18, $0x4D8;
	_ =	swait.ge [sflag:s12], $0x50  }
0x27: {  	[sflag:s12] =	ssyncset.done $0x0  }
0x28: {  	s18 =	sadd.s32 s17, s9;
	s17 =	smov.u32 s20;
	[sflag:s12] =	ssyncadd.s32 $0xFFFFFFB0  }
0x29: {  	[tilespmem:s13], [sflag:$0x2] =	stream.linear.gather [hbm4b:s18+s3], $0x50, $0x38;
	[tilespmem:$0xB4A0] =	vst v63  }
0x2a: {  	_ =	swait.ge [sflag:s12], $0x50  }
0x2b: {  	[sflag:s12] =	ssyncset.done $0x0  }
0x2c: {  	[sflag:s12] =	ssyncadd.s32 $0xFFFFFFB0  }
0x2d: {  	[tilespmem:s14], [sflag:$0x1] =	stream.indirect.gather [hbm4b:s4+s13], $0x40, s3, s13, $0xb8;
	[tilespmem:$0xB4A0] =	vst v63  }
0x2e: {  	_ =	swait.ge [sflag:s15], $0x1400  }
.Ltmp0:
0x2f: {  	[sflag:s15] =	ssyncset.done $0x0;
	(pc) =	sbr.rel @p0 .LBB2_2-.Ltmp0, $4  }
0x30: {  	[sflag:s15] =	ssyncadd.s32 $0xFFFFEC00  }
0x31: {  	[spmem:s2] =	stream.indirect.scatter.add.f32 [tilespmem:s14], [sflag:$0x2], $0x40, s13, s13, $0xb8;
	[tilespmem:$0xB4A0] =	vst v63  }
0x32: {  	_ =	swait.ge [sflag:s12], $0x1400  }
0x33: {  	s18 =	smov.u32 s21;
	[sflag:s12] =	ssyncset.done $0x0  }
0x34: {  	s18 =	sadd.s32 s17, s10;
	[sflag:s12] =	ssyncadd.s32 $0xFFFFEC00  }
0x35: {  	[tilespmem:s3], [sflag:$0x2] =	stream.linear.gather [hbm4b:s18+s3], $0x50, $0x38;
	[tilespmem:$0xB4A0] =	vst v63  }
0x36: {  	_ =	swait.ge [sflag:s12], $0x50  }
0x37: {  	[sflag:s12] =	ssyncset.done $0x0  }
0x38: {  	s31 =	sadd.s32 s17, s9;
	[sflag:s12] =	ssyncadd.s32 $0xFFFFFFB0  }
0x39: {  	[tilespmem:s13], [sflag:$0x2] =	stream.linear.gather [hbm4b:s31+s3], $0x50, $0x38;
	[tilespmem:$0xB4A0] =	vst v63  }
0x3a: {  	_ =	swait.ge [sflag:s12], $0x50  }
0x3b: {  	[sflag:s12] =	ssyncset.done $0x0  }
0x3c: {  	[sflag:s12] =	ssyncadd.s32 $0xFFFFFFB0  }
0x3d: {  	[tilespmem:s14], [sflag:$0x1] =	stream.indirect.gather [hbm4b:s4+s13], $0x40, s3, s13, $0xb8;
	[tilespmem:$0xB4A0] =	vst v63  }
0x3e: {  	_ =	swait.ge [sflag:s15], $0x1400  }
0x3f: {  	[sflag:s15] =	ssyncset.done $0x0  }
0x40: {  	[sflag:s15] =	ssyncadd.s32 $0xFFFFEC00  }
0x41: {  	[spmem:s2] =	stream.indirect.scatter.add.f32 [tilespmem:s14], [sflag:$0x2], $0x40, s13, s13, $0xb8;
	[tilespmem:$0xB4A0] =	vst v63  }
0x42: {  	_ =	swait.ge [sflag:s12], $0x1400  }
0x43: {  	s16 =	sadd.s32 $0x1, s16;
	[sflag:s12] =	ssyncset.done $0x0  }
0x44: {  	p0 =	sne.s32 s16, s8;
	[sflag:s12] =	ssyncadd.s32 $0xFFFFEC00  }
.Ltmp1:
0x45: {  	[bflag:$0x0] =	sbarrier.arrive $0xFFFF;
	(pc) =	sbr.rel @p0 .LBB2_1-.Ltmp1, $4  }
0x46: {  	[hbm:s7], [sflag:s6] =	dma.local [spmem:s11], $0x1400  }
0x47: {  	_ =	swait.ge [sflag:s12], $0x1400  }
0x48: {  	[sflag:s12] =	ssyncset.done $0x0  }
0x49: {  	[sflag:s12] =	ssyncadd.s32 $0xFFFFEC00  }
0x4a: {  	_ =	sfence.sel $0x180000  }
0x4b: {  	[bflag:$0x0] =	sbarrier.arrive $0xFFFF  }
0x4c: {  	p0 =	sne.s32 s0, $0x0;
	_ =	strace $0x90000050  }
0x4d: {  	s0 =	sadd.s32 @!p0 $0x100000, s1;
	[bflag:$0x2] =	sbarrier.arrive $0xFFFF  }
0x4e: {  	[sflag:s0] =	ssyncadd.tile.s32 @!p0 $0x1;
	_ =	shalt  }
.Lfunc_end2:
_tile_overlayer_lowered:
.L_overlay_start_2:
0x4f: {  	(tag) =	ssettag $0x2  }
0x50: {  	s0 =	rddreg [dreg:$0x0];
	s2 =	stileid.u32  }
0x51: {  	s1 =	rddreg [dreg:$0x1];
	p0 =	sne.s32 s2, $0x0  }
0x52: {  	s3 =	rddreg [dreg:$0x2];
	[bflag:$0x3] =	sbarrier.arrive $0xFFFF;
	s2 =	simm.s32 @!p0 $0x1C02  }
0x53: {  	[timem:s3], [sflag:s2] =	dma.local @!p0 [hbm:s0], s1  }
0x54: {  	s0 =	simm.s32 @!p0 $0x2  }
0x55: {  	_ =	swait.ge @!p0 [sflag:s0], s1  }
0x56: {  	s1 =	ssub.s32 @!p0 $0x0, s1;
	[sflag:s0] =	ssyncset.done @!p0 $0x0  }
0x57: {  	[sflag:s0] =	ssyncadd.s32 @!p0 s1  }
0x58: {  	[bflag:$0x3] =	sbarrier.arrive $0xFFFF  }
0x59: {  	_ =	shalt  }

// kernel: kernel.27.cloned.1.call-start
scs
__scs_entry_jumppad:
0x0: {  	(pc) =	sbr.rel $0x88, $3  }
0x1: {  	(tag) =	ssettag $0x0;
	lr =	simm.s32 $0x1  }
0x2: {  	[smem:$0x3F88] =	sst lr;
	_ =	strace $0xD0000000  }
0x3: {  	_ = 	snop  }
0x4: {  	_ = 	snop  }
0x5: {  	_ = 	snop  }
0x6: {  	_ = 	snop  }
0x7: {  	_ = 	snop  }
__scs_overlays_trampoline_lowered:
0x8: {  	[smem:$0x3F97] =	sst s0  }
0x9: {  	[smem:$0x3F98] =	sst s1  }
0xa: {  	[smem:$0x3F99] =	sst s2  }
0xb: {  	[smem:$0x3F9A] =	sst s3  }
0xc: {  	[smem:$0x3F9B] =	sst s4  }
0xd: {  	[smem:$0x3F9C] =	sst s5  }
0xe: {  	[smem:$0x3F9D] =	sst s6  }
0xf: {  	[smem:$0x3F9E] =	sst s7  }
0x10: {  	[smem:$0x3F9F] =	sst s8  }
0x11: {  	[smem:$0x3FA0] =	sst s9;
	s0 =	simm.s32 @!p0 $0x0  }
0x12: {  	s1 =	sld [smem:$0x3F86];
	s0 =	simm.s32 @p0 $0x1  }
0x13: {  	[smem:$0x3FA1] =	sst s0;
	s0 =	simm.s32 @!p1 $0x0  }
0x14: {  	s2 =	sld [smem:$0x3F85];
	s0 =	simm.s32 @p1 $0x1  }
0x15: {  	[smem:$0x3FA2] =	sst s0;
	s0 =	simm.s32 @!p2 $0x0  }
0x16: {  	s3 =	sld [smem:$0x3FDB];
	s0 =	simm.s32 @p2 $0x1  }
0x17: {  	s4 =	simm.s32 $0x1BF5;
	[smem:$0x3FA4] =	sst s0  }
0x18: {  	s0 =	sld [smem:$0x3F87];
	_ =	swait.ge [sflag:s4], $0x0  }
0x19: {  	s7 =	sld [smem:$0x3F88]  }
0x1a: {  	s8 =	sadd.s32 $0xFFFFE003, lr  }
0x1b: {  	s9 =	sadd.s32 $0xFFFFFEF7, lr;
	s5 =	simm.s32 $0xFFFFFFFF;
	p2 =	slt.u32 s8, $0xFFFFF086  }
0x1c: {  	p1 =	slt.u32 s9, $0xF7A;
	s5 =	simm.s32 @!p2 $0x0  }
0x1d: {  	s5 =	simm.s32 @p1 $0x1;
	p0 =	seq.s32 s7, s2  }
0x1e: {  	s7 =	smul.u32 @!p0 $0xF7A, s2;
	p2 =	seq.s32 @!p0 s5, $0x0  }
0x1f: {  	s9 =	smul.u32 $0xF7A, s1;
	s8 =	simm.s32 @!p0 $0x1BF5;
	p2 =	por !p2, p0  }
0x20: {  	[sflag:s8] =	ssyncset.s32 @!p0 $0xFFFFF086;
	s6 =	sadd.s32 @!p0 s3, s7;
	s7 =	simm.s32 @!p0 $0x108  }
0x21: {  	s3 =	sadd.s32 s3, s9;
	s6 =	sadd.s32 @!p0 $0x88, s6;
	s7 =	simm.s32 @p2 $0x1082  }
0x22: {  	[simem:s7], [sflag:s8] =	dma.local @!p0 [hbm:s6], $0xF7A  }
0x23: {  	s9 =	sor.u32 $0xD0000000, s2;
	s6 =	simm.s32 $0x108;
	_ =	swait.ge @!p0 [sflag:s8], $0x0  }
0x24: {  	s3 =	sadd.s32 $0x88, s3;
	s6 =	simm.s32 @!p1 $0x1082;
	[sflag:s4] =	ssyncset.s32 $0xFFFFF086  }
0x25: {  	[simem:s6], [sflag:s4] =	dma.local [hbm:s3], $0xF7A  }
0x26: {  	[smem:$0x3F88] =	sst s1;
	(tag) =	ssettag s2;
	_ =	strace s9  }
0x27: {  	s1 =	sld [smem:$0x3F98]  }
0x28: {  	s2 =	sld [smem:$0x3F99]  }
0x29: {  	s4 =	sld [smem:$0x3F9B]  }
0x2a: {  	p0 =	seq.s32 s5, $0x0;
	s5 =	sld [smem:$0x3F9C]  }
0x2b: {  	s6 =	sld [smem:$0x3F9D]  }
0x2c: {  	s7 =	sld [smem:$0x3F9E]  }
0x2d: {  	s3 =	simm.s32 $0x108;
	s8 =	sld [smem:$0x3F9F]  }
0x2e: {  	s3 =	simm.s32 @!p0 $0x1082;
	s9 =	sld [smem:$0x3FA0]  }
0x2f: {  	lr =	sadd.s32 s0, s3;
	s0 =	sld [smem:$0x3F97]  }
0x30: {  	s3 =	sld [smem:$0x3F9A]  }
0x31: {  	[smem:$0x3FA3] =	sst s10  }
0x32: {  	s10 =	sld [smem:$0x3FA1];
	_ =	sdelay $0x3  }
0x33: {  	p0 =	seq.s32 s10, $0x1;
	s10 =	sld [smem:$0x3FA3];
	_ =	sdelay $0x3  }
0x34: {  	[smem:$0x3FA3] =	sst s10  }
0x35: {  	s10 =	sld [smem:$0x3FA2];
	_ =	sdelay $0x3  }
0x36: {  	p1 =	seq.s32 s10, $0x1;
	s10 =	sld [smem:$0x3FA3];
	_ =	sdelay $0x3  }
0x37: {  	[smem:$0x3FA3] =	sst s10  }
0x38: {  	s10 =	sld [smem:$0x3FA4]  }
0x39: {  	_ = 	snop;
	(pc) =	sbr.ind lr, $3  }
0x3a: {  	_ = 	snop  }
0x3b: {  	_ = 	snop  }
0x3c: {  	p2 =	seq.s32 s10, $0x1;
	s10 =	sld [smem:$0x3FA3]  }
0x3d: {  	_ =	shalt  }
0x3e: {  	_ =	shalt  }
0x3f: {  	_ =	shalt  }
0x40: {  	_ =	shalt  }
0x41: {  	_ =	shalt  }
0x42: {  	_ =	shalt  }
0x43: {  	_ =	shalt  }
0x44: {  	_ =	shalt  }
0x45: {  	_ =	shalt  }
0x46: {  	_ =	shalt  }
0x47: {  	_ =	shalt  }
0x48: {  	_ =	shalt  }
0x49: {  	_ =	shalt  }
0x4a: {  	_ =	shalt  }
0x4b: {  	_ =	shalt  }
0x4c: {  	_ =	shalt  }
0x4d: {  	_ =	shalt  }
0x4e: {  	_ =	shalt  }
0x4f: {  	_ =	shalt  }
0x50: {  	_ =	shalt  }
0x51: {  	_ =	shalt  }
0x52: {  	_ =	shalt  }
0x53: {  	_ =	shalt  }
0x54: {  	_ =	shalt  }
0x55: {  	_ =	shalt  }
0x56: {  	_ =	shalt  }
0x57: {  	_ =	shalt  }
0x58: {  	_ =	shalt  }
0x59: {  	_ =	shalt  }
0x5a: {  	_ =	shalt  }
0x5b: {  	_ =	shalt  }
0x5c: {  	_ =	shalt  }
0x5d: {  	_ =	shalt  }
0x5e: {  	_ =	shalt  }
0x5f: {  	_ =	shalt  }
0x60: {  	_ =	shalt  }
0x61: {  	_ =	shalt  }
0x62: {  	_ =	shalt  }
0x63: {  	_ =	shalt  }
0x64: {  	_ =	shalt  }
0x65: {  	_ =	shalt  }
0x66: {  	_ =	shalt  }
0x67: {  	_ =	shalt  }
0x68: {  	_ =	shalt  }
0x69: {  	_ =	shalt  }
0x6a: {  	_ =	shalt  }
0x6b: {  	_ =	shalt  }
0x6c: {  	_ =	shalt  }
0x6d: {  	_ =	shalt  }
0x6e: {  	_ =	shalt  }
0x6f: {  	_ =	shalt  }
0x70: {  	_ =	shalt  }
0x71: {  	_ =	shalt  }
0x72: {  	_ =	shalt  }
0x73: {  	_ =	shalt  }
0x74: {  	_ =	shalt  }
0x75: {  	_ =	shalt  }
0x76: {  	_ =	shalt  }
0x77: {  	_ =	shalt  }
0x78: {  	_ =	shalt  }
0x79: {  	_ =	shalt  }
0x7a: {  	_ =	shalt  }
0x7b: {  	_ =	shalt  }
0x7c: {  	_ =	shalt  }
0x7d: {  	_ =	shalt  }
0x7e: {  	_ =	shalt  }
0x7f: {  	_ =	shalt  }
0x80: {  	_ =	shalt  }
0x81: {  	_ =	shalt  }
0x82: {  	_ =	shalt  }
0x83: {  	_ =	shalt  }
0x84: {  	_ =	shalt  }
0x85: {  	_ =	shalt  }
0x86: {  	_ =	shalt  }
0x87: {  	_ =	shalt  }
.Lfunc_end0:
.L_simem_size_0:
called_computation.4_lowered:
.L_overlay_start_0:
0x88: {  	s2 =	sld [smem:$0x3FD9]  }
0x89: {  	s3 =	sld [smem:$0x3FFE];
	_ =	sdelay $0x1  }
0x8a: {  	s1 =	srdreg.scid  }
0x8b: {  	s0 =	sand.u32 $0x1, s1  }
0x8c: {  	s16 =	sshll.u32 s0, $0xA;
	s2 =	sadd.s32 s3, s2  }
0x8d: {  	s2 =	sadd.s32 s2, s16  }
0x8e: {  	[smem:$0x3FAF] =	sst s2  }
0x8f: {  	_ = 	snop  }
0x90: {  	(tm) =	ssettm $0x1  }
0x91: {  	s17 =	sld [smem:$0x3FFB];
	_ =	sdelay $0x3  }
0x92: {  	_ =	strace s17  }
0x93: {  	s2 =	sld [smem:$0x3FFC];
	_ =	sdelay $0x3  }
0x94: {  	_ =	strace s2  }
0x95: {  	s2 =	sld [smem:$0x3FFD];
	_ =	sdelay $0x3  }
0x96: {  	_ =	strace s2  }
0x97: {  	_ =	strace $0x8FFFFFFF  }
0x98: {  	s18 =	sld [smem:$0x3FDB];
	_ =	sdelay $0x1  }
0x99: {  	s19 =	simm.s32 $_scs_section_size  }
0x9a: {  	s4 =	simm.s32 $_size__tile_overlayer_lowered;
	s5 =	simm.s32 $_tile_overlayer_lowered  }
0x9b: {  	s22 =	simm.s32 $0x1BFF;
	s21 =	sshll.u32 s5, $0x1;
	s2 =	sadd.s32 s19, s18  }
0x9c: {  	s6 =	simm.s32 $0x0;
	s20 =	sshll.u32 s4, $0x1;
	s4 =	sadd.s32 s21, s2  }
0x9d: {  	[timem:s6], [sflag:s22] =	dma.local [hbm:s4], s20  }
0x9e: {  	_ =	swait.ge [sflag:s22], s20  }
0x9f: {  	s3 =	ssub.s32 $0x0, s20;
	[sflag:s22] =	ssyncset.done $0x0  }
0xa0: {  	[sflag:s22] =	ssyncadd.s32 s3;
	_ =	sdelay $0x1  }
0xa1: {  	s23 =	simm.s32 $0x1B8B  }
0xa2: {  	_ =	swait.ge [sflag:s23], $0x1  }
0xa3: {  	[sflag:s23] =	ssyncset.done $0x0  }
0xa4: {  	s25 =	simm.s32 $0x1B8E;
	s24 =	sld [smem:$0x3FFE];
	[sflag:s23] =	ssyncadd.s32 $0xFFFFFFFF  }
0xa5: {  	s26 =	simm.s32 $execute0_lowered;
	[smem:$0x3FD2] =	sst s25  }
0xa6: {  	s4 =	sshll.u32 s26, $0x1;
	_ =	strace $0x80000052;
	[dreg:$0x1] =	wrdreg $0xFFFFFFFF  }
0xa7: {  	s28 =	simm.s32 $_size_execute0_lowered;
	s2 =	sadd.s32 s2, s4;
	[dreg:$0x0] =	wrdreg $0x0  }
0xa8: {  	s4 =	sshll.u32 s28, $0x1;
	[dreg:$0x2] =	wrdreg s2  }
0xa9: {  	[dreg:$0x3] =	wrdreg s4  }
0xaa: {  	[dreg:$0x4] =	wrdreg $0xC0  }
0xab: {  	_ =	task [dreg:s6], $0x5FFFF  }
0xac: {  	[dreg:$0x1] =	wrdreg $0xFFFFFFFF  }
0xad: {  	[dreg:$0x0] =	wrdreg $0x60  }
0xae: {  	[dreg:$0x2] =	wrdreg s24  }
0xaf: {  	[dreg:$0x3] =	wrdreg $0x14A00  }
0xb0: {  	[dreg:$0x4] =	wrdreg $0x9  }
0xb1: {  	_ =	task.clear_ibuf [dreg:s6], $0x5FFFF;
	_ =	strace $0x90000052  }
0xb2: {  	s29 =	simm.s32 $0x9;
	_ =	strace $0x80000054  }
0xb3: {  	_ =	swait.ge [sflag:s29], $0x1  }
0xb4: {  	[sflag:s29] =	ssyncadd.s32 $0xFFFFFFFF  }
0xb5: {  	_ =	strace $0x90000054  }
0xb6: {  	_ =	sfence  }
0xb7: {  	s30 =	sld [smem:$0x0];
	_ =	sdelay $0x2  }
0xb8: {  	s31 =	sshll.u32 s1, $0xD;
	s1 =	sshrl.u32 s1, $0x2  }
0xb9: {  	s3 =	sand.u32 $0x4000, s31;
	s1 =	sadd.s32 s1, s30  }
0xba: {  	s0 =	sor.u32 s3, s0;
	s1 =	sshll.u32 s1, $0x11  }
0xbb: {  	s0 =	sor.u32 s1, s0  }
0xbc: {  	s0 =	sadd.s32 $0x8F2B, s0  }
0xbd: {  	[sflag:s0] =	ssyncadd.remote.s32 $0x1  }
0xbe: {  	_ =	sfence.sel $0xFFFF  }
0xbf: {  	[dreg:$0x0] =	wrdreg $0xFFFFFFFF;
	(pc) =	sbr.abs _section_cstart, $3  }
0xc0: {  	[dreg:$0x1] =	wrdreg $0xFFFFFFFF  }
0xc1: {  	_ =	task.clear_ibuf [dreg:s6], $0x2FFFF;
	_ =	strace $0x9FFFFFFF  }
0xc2: {  	(tm) =	ssettm $0x7FFFFFFF  }
0xc3: {  	_ =	shalt  }
tec
execute0_lowered:
.L_overlay_start_1:
0x0: {  	(tag) =	ssettag $0x1  }
0x1: {  	s6 =	rddreg [dreg:$0x0]  }
0x2: {  	s2 =	rddreg [dreg:$0x1]  }
0x3: {  	s0 =	srdreg.scid;
	s1 =	rddreg [dreg:$0x2]  }
0x4: {  	s3 =	simm.s32 $0x0;
	s12 =	simm.s32 $0x2;
	s5 =	sand.u32 $0x1, s0  }
0x5: {  	s13 =	simm.s32 $0x50;
	s0 =	stileid.u32;
	s4 =	smul.u32 $0x27100, s5  }
0x6: {  	s14 =	simm.s32 $0xA0;
	s15 =	simm.s32 $0x1;
	s7 =	smul.u32 $0x2710, s0  }
0x7: {  	s16 =	simm.s32 $0x0;
	[smem:$0x7FF] =	sst s3;
	s8 =	smul.u32 $0xA000, s0  }
0x8: {  	s9 =	smul.u32 $0xA0000, s5;
	_ =	strace $0x80000053;
	s29 =	ssub.s32 $0x2, s5  }
0x9: {  	s5 =	sadd.s32 $0x2BA00, s6;
	s30 =	sshll.u32 s0, $0x6;
	s11 =	sshrl.u32 s29, $0x1  }
0xa: {  	s7 =	sadd.s32 s7, s4;
	s4 =	sadd.s32 $0x18000, s6;
	s28 =	sadd.s32 s8, s9  }
0xb: {  	s9 =	ssub.s32 s29, s11;
	s31 =	sadd.s32 s8, s2;
	s7 =	sshrl.u32 s7, $0x3  }
0xc: {  	s8 =	smax.u32 s9, $0x1;
	s10 =	sadd.s32 s7, s6;
	s7 =	sshrl.u32 s28, $0x3  }
0xd: {  	s11 =	sshrl.u32 s31, $0x3;
	s7 =	sadd.s32 s7, s6;
	s6 =	sor.u32 $0x1C02, s30  }
0xe: {  	s9 =	sadd.s32 $0x4400, s10;
	s10 =	sadd.s32 $0xE200, s10;
	s7 =	sadd.s32 $0x2CE00, s7  }
.LBB2_1:
0xf: {  	[spmem:s11], [sflag:s6] =	dma.local [hbm:s5], $0x1400  }
0x10: {  	_ =	swait.ge [sflag:s12], $0x1400  }
0x11: {  	[sflag:s12] =	ssyncset.done $0x0  }
0x12: {  	[sflag:s12] =	ssyncadd.s32 $0xFFFFEC00  }
0x13: {  	s17 =	sadd.s32 $0x0, s10;
	[bflag:$0x0] =	sbarrier.arrive $0xFFFF  }
0x14: {  	[tilespmem:s3], [sflag:$0x2] =	stream.linear.gather [hbm4b:s17+s3], $0x50, $0x38;
	[tilespmem:$0xB4A0] =	vst v63  }
0x15: {  	_ =	swait.ge [sflag:s12], $0x50  }
0x16: {  	[sflag:s12] =	ssyncset.done $0x0  }
0x17: {  	s31 =	sadd.s32 $0x0, s9;
	[sflag:s12] =	ssyncadd.s32 $0xFFFFFFB0  }
0x18: {  	[tilespmem:s13], [sflag:$0x2] =	stream.linear.gather [hbm4b:s31+s3], $0x50, $0x38;
	[tilespmem:$0xB4A0] =	vst v63  }
0x19: {  	_ =	swait.ge [sflag:s12], $0x50  }
0x1a: {  	[sflag:s12] =	ssyncset.done $0x0  }
0x1b: {  	[sflag:s12] =	ssyncadd.s32 $0xFFFFFFB0  }
0x1c: {  	[tilespmem:s14], [sflag:$0x1] =	stream.indirect.gather [hbm4b:s4+s13], $0x40, s3, s13, $0xb8;
	[tilespmem:$0xB4A0] =	vst v63  }
0x1d: {  	_ =	swait.ge [sflag:s15], $0x1400  }
0x1e: {  	[sflag:s15] =	ssyncset.done $0x0  }
0x1f: {  	[sflag:s15] =	ssyncadd.s32 $0xFFFFEC00  }
0x20: {  	[spmem:s2] =	stream.indirect.scatter.add.f32 [tilespmem:s14], [sflag:$0x2], $0x40, s13, s13, $0xb8;
	[tilespmem:$0xB4A0] =	vst v63  }
0x21: {  	_ =	swait.ge [sflag:s12], $0x1400  }
0x22: {  	s18 =	simm.s32 $0x14;
	s17 =	simm.s32 $0xA;
	[sflag:s12] =	ssyncset.done $0x0  }
.LBB2_2:
0x23: {  	s19 =	sadd.s32 s17, s10  }
0x24: {  	[sflag:s12] =	ssyncadd.s32 $0xFFFFEC00;
	s20 =	smov.u32 s18;
	s21 =	sadd.s32 $0xA, s18  }
0x25: {  	[tilespmem:s3], [sflag:$0x2] =	stream.linear.gather [hbm4b:s19+s3], $0x50, $0x38;
	[tilespmem:$0xB4A0] =	vst v63  }
0x26: {  	p0 =	sne.s32 s18, $0x4D8;
	_ =	swait.ge [sflag:s12], $0x50  }
0x27: {  	[sflag:s12] =	ssyncset.done $0x0  }
0x28: {  	s18 =	sadd.s32 s17, s9;
	s17 =	smov.u32 s20;
	[sflag:s12] =	ssyncadd.s32 $0xFFFFFFB0  }
0x29: {  	[tilespmem:s13], [sflag:$0x2] =	stream.linear.gather [hbm4b:s18+s3], $0x50, $0x38;
	[tilespmem:$0xB4A0] =	vst v63  }
0x2a: {  	_ =	swait.ge [sflag:s12], $0x50  }
0x2b: {  	[sflag:s12] =	ssyncset.done $0x0  }
0x2c: {  	[sflag:s12] =	ssyncadd.s32 $0xFFFFFFB0  }
0x2d: {  	[tilespmem:s14], [sflag:$0x1] =	stream.indirect.gather [hbm4b:s4+s13], $0x40, s3, s13, $0xb8;
	[tilespmem:$0xB4A0] =	vst v63  }
0x2e: {  	_ =	swait.ge [sflag:s15], $0x1400  }
.Ltmp0:
0x2f: {  	[sflag:s15] =	ssyncset.done $0x0;
	(pc) =	sbr.rel @p0 .LBB2_2-.Ltmp0, $4  }
0x30: {  	[sflag:s15] =	ssyncadd.s32 $0xFFFFEC00  }
0x31: {  	[spmem:s2] =	stream.indirect.scatter.add.f32 [tilespmem:s14], [sflag:$0x2], $0x40, s13, s13, $0xb8;
	[tilespmem:$0xB4A0] =	vst v63  }
0x32: {  	_ =	swait.ge [sflag:s12], $0x1400  }
0x33: {  	s18 =	smov.u32 s21;
	[sflag:s12] =	ssyncset.done $0x0  }
0x34: {  	s18 =	sadd.s32 s17, s10;
	[sflag:s12] =	ssyncadd.s32 $0xFFFFEC00  }
0x35: {  	[tilespmem:s3], [sflag:$0x2] =	stream.linear.gather [hbm4b:s18+s3], $0x50, $0x38;
	[tilespmem:$0xB4A0] =	vst v63  }
0x36: {  	_ =	swait.ge [sflag:s12], $0x50  }
0x37: {  	[sflag:s12] =	ssyncset.done $0x0  }
0x38: {  	s31 =	sadd.s32 s17, s9;
	[sflag:s12] =	ssyncadd.s32 $0xFFFFFFB0  }
0x39: {  	[tilespmem:s13], [sflag:$0x2] =	stream.linear.gather [hbm4b:s31+s3], $0x50, $0x38;
	[tilespmem:$0xB4A0] =	vst v63  }
0x3a: {  	_ =	swait.ge [sflag:s12], $0x50  }
0x3b: {  	[sflag:s12] =	ssyncset.done $0x0  }
0x3c: {  	[sflag:s12] =	ssyncadd.s32 $0xFFFFFFB0  }
0x3d: {  	[tilespmem:s14], [sflag:$0x1] =	stream.indirect.gather [hbm4b:s4+s13], $0x40, s3, s13, $0xb8;
	[tilespmem:$0xB4A0] =	vst v63  }
0x3e: {  	_ =	swait.ge [sflag:s15], $0x1400  }
0x3f: {  	[sflag:s15] =	ssyncset.done $0x0  }
0x40: {  	[sflag:s15] =	ssyncadd.s32 $0xFFFFEC00  }
0x41: {  	[spmem:s2] =	stream.indirect.scatter.add.f32 [tilespmem:s14], [sflag:$0x2], $0x40, s13, s13, $0xb8;
	[tilespmem:$0xB4A0] =	vst v63  }
0x42: {  	_ =	swait.ge [sflag:s12], $0x1400  }
0x43: {  	s16 =	sadd.s32 $0x1, s16;
	[sflag:s12] =	ssyncset.done $0x0  }
0x44: {  	p0 =	sne.s32 s16, s8;
	[sflag:s12] =	ssyncadd.s32 $0xFFFFEC00  }
.Ltmp1:
0x45: {  	[bflag:$0x0] =	sbarrier.arrive $0xFFFF;
	(pc) =	sbr.rel @p0 .LBB2_1-.Ltmp1, $4  }
0x46: {  	[hbm:s7], [sflag:s6] =	dma.local [spmem:s11], $0x1400  }
0x47: {  	_ =	swait.ge [sflag:s12], $0x1400  }
0x48: {  	[sflag:s12] =	ssyncset.done $0x0  }
0x49: {  	[sflag:s12] =	ssyncadd.s32 $0xFFFFEC00  }
0x4a: {  	_ =	sfence.sel $0x180000  }
0x4b: {  	[bflag:$0x0] =	sbarrier.arrive $0xFFFF  }
0x4c: {  	p0 =	sne.s32 s0, $0x0;
	_ =	strace $0x90000053  }
0x4d: {  	s0 =	sadd.s32 @!p0 $0x100000, s1;
	[bflag:$0x2] =	sbarrier.arrive $0xFFFF  }
0x4e: {  	[sflag:s0] =	ssyncadd.tile.s32 @!p0 $0x1;
	_ =	shalt  }
.Lfunc_end2:
_tile_overlayer_lowered:
.L_overlay_start_2:
0x4f: {  	(tag) =	ssettag $0x2  }
0x50: {  	s0 =	rddreg [dreg:$0x0];
	s2 =	stileid.u32  }
0x51: {  	s1 =	rddreg [dreg:$0x1];
	p0 =	sne.s32 s2, $0x0  }
0x52: {  	s3 =	rddreg [dreg:$0x2];
	[bflag:$0x3] =	sbarrier.arrive $0xFFFF;
	s2 =	simm.s32 @!p0 $0x1C02  }
0x53: {  	[timem:s3], [sflag:s2] =	dma.local @!p0 [hbm:s0], s1  }
0x54: {  	s0 =	simm.s32 @!p0 $0x2  }
0x55: {  	_ =	swait.ge @!p0 [sflag:s0], s1  }
0x56: {  	s1 =	ssub.s32 @!p0 $0x0, s1;
	[sflag:s0] =	ssyncset.done @!p0 $0x0  }
0x57: {  	[sflag:s0] =	ssyncadd.s32 @!p0 s1  }
0x58: {  	[bflag:$0x3] =	sbarrier.arrive $0xFFFF  }
0x59: {  	_ =	shalt  }

// kernel: kernel.30.cloned.1.call-start
scs
__scs_entry_jumppad:
0x0: {  	(pc) =	sbr.rel $0x88, $3  }
0x1: {  	(tag) =	ssettag $0x0;
	lr =	simm.s32 $0x1  }
0x2: {  	[smem:$0x3F88] =	sst lr;
	_ =	strace $0xD0000000  }
0x3: {  	_ = 	snop  }
0x4: {  	_ = 	snop  }
0x5: {  	_ = 	snop  }
0x6: {  	_ = 	snop  }
0x7: {  	_ = 	snop  }
__scs_overlays_trampoline_lowered:
0x8: {  	[smem:$0x3F97] =	sst s0  }
0x9: {  	[smem:$0x3F98] =	sst s1  }
0xa: {  	[smem:$0x3F99] =	sst s2  }
0xb: {  	[smem:$0x3F9A] =	sst s3  }
0xc: {  	[smem:$0x3F9B] =	sst s4  }
0xd: {  	[smem:$0x3F9C] =	sst s5  }
0xe: {  	[smem:$0x3F9D] =	sst s6  }
0xf: {  	[smem:$0x3F9E] =	sst s7  }
0x10: {  	[smem:$0x3F9F] =	sst s8  }
0x11: {  	[smem:$0x3FA0] =	sst s9;
	s0 =	simm.s32 @!p0 $0x0  }
0x12: {  	s1 =	sld [smem:$0x3F86];
	s0 =	simm.s32 @p0 $0x1  }
0x13: {  	[smem:$0x3FA1] =	sst s0;
	s0 =	simm.s32 @!p1 $0x0  }
0x14: {  	s2 =	sld [smem:$0x3F85];
	s0 =	simm.s32 @p1 $0x1  }
0x15: {  	[smem:$0x3FA2] =	sst s0;
	s0 =	simm.s32 @!p2 $0x0  }
0x16: {  	s3 =	sld [smem:$0x3FDB];
	s0 =	simm.s32 @p2 $0x1  }
0x17: {  	s4 =	simm.s32 $0x1BF5;
	[smem:$0x3FA4] =	sst s0  }
0x18: {  	s0 =	sld [smem:$0x3F87];
	_ =	swait.ge [sflag:s4], $0x0  }
0x19: {  	s7 =	sld [smem:$0x3F88]  }
0x1a: {  	s8 =	sadd.s32 $0xFFFFE003, lr  }
0x1b: {  	s9 =	sadd.s32 $0xFFFFFEF7, lr;
	s5 =	simm.s32 $0xFFFFFFFF;
	p2 =	slt.u32 s8, $0xFFFFF086  }
0x1c: {  	p1 =	slt.u32 s9, $0xF7A;
	s5 =	simm.s32 @!p2 $0x0  }
0x1d: {  	s5 =	simm.s32 @p1 $0x1;
	p0 =	seq.s32 s7, s2  }
0x1e: {  	s7 =	smul.u32 @!p0 $0xF7A, s2;
	p2 =	seq.s32 @!p0 s5, $0x0  }
0x1f: {  	s9 =	smul.u32 $0xF7A, s1;
	s8 =	simm.s32 @!p0 $0x1BF5;
	p2 =	por !p2, p0  }
0x20: {  	[sflag:s8] =	ssyncset.s32 @!p0 $0xFFFFF086;
	s6 =	sadd.s32 @!p0 s3, s7;
	s7 =	simm.s32 @!p0 $0x108  }
0x21: {  	s3 =	sadd.s32 s3, s9;
	s6 =	sadd.s32 @!p0 $0x88, s6;
	s7 =	simm.s32 @p2 $0x1082  }
0x22: {  	[simem:s7], [sflag:s8] =	dma.local @!p0 [hbm:s6], $0xF7A  }
0x23: {  	s9 =	sor.u32 $0xD0000000, s2;
	s6 =	simm.s32 $0x108;
	_ =	swait.ge @!p0 [sflag:s8], $0x0  }
0x24: {  	s3 =	sadd.s32 $0x88, s3;
	s6 =	simm.s32 @!p1 $0x1082;
	[sflag:s4] =	ssyncset.s32 $0xFFFFF086  }
0x25: {  	[simem:s6], [sflag:s4] =	dma.local [hbm:s3], $0xF7A  }
0x26: {  	[smem:$0x3F88] =	sst s1;
	(tag) =	ssettag s2;
	_ =	strace s9  }
0x27: {  	s1 =	sld [smem:$0x3F98]  }
0x28: {  	s2 =	sld [smem:$0x3F99]  }
0x29: {  	s4 =	sld [smem:$0x3F9B]  }
0x2a: {  	p0 =	seq.s32 s5, $0x0;
	s5 =	sld [smem:$0x3F9C]  }
0x2b: {  	s6 =	sld [smem:$0x3F9D]  }
0x2c: {  	s7 =	sld [smem:$0x3F9E]  }
0x2d: {  	s3 =	simm.s32 $0x108;
	s8 =	sld [smem:$0x3F9F]  }
0x2e: {  	s3 =	simm.s32 @!p0 $0x1082;
	s9 =	sld [smem:$0x3FA0]  }
0x2f: {  	lr =	sadd.s32 s0, s3;
	s0 =	sld [smem:$0x3F97]  }
0x30: {  	s3 =	sld [smem:$0x3F9A]  }
0x31: {  	[smem:$0x3FA3] =	sst s10  }
0x32: {  	s10 =	sld [smem:$0x3FA1];
	_ =	sdelay $0x3  }
0x33: {  	p0 =	seq.s32 s10, $0x1;
	s10 =	sld [smem:$0x3FA3];
	_ =	sdelay $0x3  }
0x34: {  	[smem:$0x3FA3] =	sst s10  }
0x35: {  	s10 =	sld [smem:$0x3FA2];
	_ =	sdelay $0x3  }
0x36: {  	p1 =	seq.s32 s10, $0x1;
	s10 =	sld [smem:$0x3FA3];
	_ =	sdelay $0x3  }
0x37: {  	[smem:$0x3FA3] =	sst s10  }
0x38: {  	s10 =	sld [smem:$0x3FA4]  }
0x39: {  	_ = 	snop;
	(pc) =	sbr.ind lr, $3  }
0x3a: {  	_ = 	snop  }
0x3b: {  	_ = 	snop  }
0x3c: {  	p2 =	seq.s32 s10, $0x1;
	s10 =	sld [smem:$0x3FA3]  }
0x3d: {  	_ =	shalt  }
0x3e: {  	_ =	shalt  }
0x3f: {  	_ =	shalt  }
0x40: {  	_ =	shalt  }
0x41: {  	_ =	shalt  }
0x42: {  	_ =	shalt  }
0x43: {  	_ =	shalt  }
0x44: {  	_ =	shalt  }
0x45: {  	_ =	shalt  }
0x46: {  	_ =	shalt  }
0x47: {  	_ =	shalt  }
0x48: {  	_ =	shalt  }
0x49: {  	_ =	shalt  }
0x4a: {  	_ =	shalt  }
0x4b: {  	_ =	shalt  }
0x4c: {  	_ =	shalt  }
0x4d: {  	_ =	shalt  }
0x4e: {  	_ =	shalt  }
0x4f: {  	_ =	shalt  }
0x50: {  	_ =	shalt  }
0x51: {  	_ =	shalt  }
0x52: {  	_ =	shalt  }
0x53: {  	_ =	shalt  }
0x54: {  	_ =	shalt  }
0x55: {  	_ =	shalt  }
0x56: {  	_ =	shalt  }
0x57: {  	_ =	shalt  }
0x58: {  	_ =	shalt  }
0x59: {  	_ =	shalt  }
0x5a: {  	_ =	shalt  }
0x5b: {  	_ =	shalt  }
0x5c: {  	_ =	shalt  }
0x5d: {  	_ =	shalt  }
0x5e: {  	_ =	shalt  }
0x5f: {  	_ =	shalt  }
0x60: {  	_ =	shalt  }
0x61: {  	_ =	shalt  }
0x62: {  	_ =	shalt  }
0x63: {  	_ =	shalt  }
0x64: {  	_ =	shalt  }
0x65: {  	_ =	shalt  }
0x66: {  	_ =	shalt  }
0x67: {  	_ =	shalt  }
0x68: {  	_ =	shalt  }
0x69: {  	_ =	shalt  }
0x6a: {  	_ =	shalt  }
0x6b: {  	_ =	shalt  }
0x6c: {  	_ =	shalt  }
0x6d: {  	_ =	shalt  }
0x6e: {  	_ =	shalt  }
0x6f: {  	_ =	shalt  }
0x70: {  	_ =	shalt  }
0x71: {  	_ =	shalt  }
0x72: {  	_ =	shalt  }
0x73: {  	_ =	shalt  }
0x74: {  	_ =	shalt  }
0x75: {  	_ =	shalt  }
0x76: {  	_ =	shalt  }
0x77: {  	_ =	shalt  }
0x78: {  	_ =	shalt  }
0x79: {  	_ =	shalt  }
0x7a: {  	_ =	shalt  }
0x7b: {  	_ =	shalt  }
0x7c: {  	_ =	shalt  }
0x7d: {  	_ =	shalt  }
0x7e: {  	_ =	shalt  }
0x7f: {  	_ =	shalt  }
0x80: {  	_ =	shalt  }
0x81: {  	_ =	shalt  }
0x82: {  	_ =	shalt  }
0x83: {  	_ =	shalt  }
0x84: {  	_ =	shalt  }
0x85: {  	_ =	shalt  }
0x86: {  	_ =	shalt  }
0x87: {  	_ =	shalt  }
.Lfunc_end0:
.L_simem_size_0:
called_computation.5_lowered:
.L_overlay_start_0:
0x88: {  	s2 =	sld [smem:$0x3FD9]  }
0x89: {  	s3 =	sld [smem:$0x3FFE];
	_ =	sdelay $0x1  }
0x8a: {  	s1 =	srdreg.scid  }
0x8b: {  	s0 =	sand.u32 $0x1, s1  }
0x8c: {  	s16 =	sshll.u32 s0, $0xA;
	s2 =	sadd.s32 s3, s2  }
0x8d: {  	s2 =	sadd.s32 s2, s16  }
0x8e: {  	[smem:$0x3FAF] =	sst s2  }
0x8f: {  	_ = 	snop  }
0x90: {  	(tm) =	ssettm $0x1  }
0x91: {  	s17 =	sld [smem:$0x3FFB];
	_ =	sdelay $0x3  }
0x92: {  	_ =	strace s17  }
0x93: {  	s2 =	sld [smem:$0x3FFC];
	_ =	sdelay $0x3  }
0x94: {  	_ =	strace s2  }
0x95: {  	s2 =	sld [smem:$0x3FFD];
	_ =	sdelay $0x3  }
0x96: {  	_ =	strace s2  }
0x97: {  	_ =	strace $0x8FFFFFFF  }
0x98: {  	s18 =	sld [smem:$0x3FDB];
	_ =	sdelay $0x1  }
0x99: {  	s19 =	simm.s32 $_scs_section_size  }
0x9a: {  	s4 =	simm.s32 $_size__tile_overlayer_lowered;
	s5 =	simm.s32 $_tile_overlayer_lowered  }
0x9b: {  	s22 =	simm.s32 $0x1BFF;
	s21 =	sshll.u32 s5, $0x1;
	s2 =	sadd.s32 s19, s18  }
0x9c: {  	s6 =	simm.s32 $0x0;
	s20 =	sshll.u32 s4, $0x1;
	s4 =	sadd.s32 s21, s2  }
0x9d: {  	[timem:s6], [sflag:s22] =	dma.local [hbm:s4], s20  }
0x9e: {  	_ =	swait.ge [sflag:s22], s20  }
0x9f: {  	s3 =	ssub.s32 $0x0, s20;
	[sflag:s22] =	ssyncset.done $0x0  }
0xa0: {  	[sflag:s22] =	ssyncadd.s32 s3;
	_ =	sdelay $0x1  }
0xa1: {  	s23 =	simm.s32 $0x1B8B  }
0xa2: {  	_ =	swait.ge [sflag:s23], $0x1  }
0xa3: {  	[sflag:s23] =	ssyncset.done $0x0  }
0xa4: {  	s25 =	simm.s32 $0x1B8E;
	s24 =	sld [smem:$0x3FFE];
	[sflag:s23] =	ssyncadd.s32 $0xFFFFFFFF  }
0xa5: {  	s26 =	simm.s32 $execute0_lowered;
	[smem:$0x3FD2] =	sst s25  }
0xa6: {  	s4 =	sshll.u32 s26, $0x1;
	_ =	strace $0x80000055;
	[dreg:$0x1] =	wrdreg $0xFFFFFFFF  }
0xa7: {  	s28 =	simm.s32 $_size_execute0_lowered;
	s2 =	sadd.s32 s2, s4;
	[dreg:$0x0] =	wrdreg $0x0  }
0xa8: {  	s4 =	sshll.u32 s28, $0x1;
	[dreg:$0x2] =	wrdreg s2  }
0xa9: {  	[dreg:$0x3] =	wrdreg s4  }
0xaa: {  	[dreg:$0x4] =	wrdreg $0xC0  }
0xab: {  	_ =	task [dreg:s6], $0x5FFFF  }
0xac: {  	[dreg:$0x1] =	wrdreg $0xFFFFFFFF  }
0xad: {  	[dreg:$0x0] =	wrdreg $0x60  }
0xae: {  	[dreg:$0x2] =	wrdreg s24  }
0xaf: {  	[dreg:$0x3] =	wrdreg $0x14A00  }
0xb0: {  	[dreg:$0x4] =	wrdreg $0x9  }
0xb1: {  	_ =	task.clear_ibuf [dreg:s6], $0x5FFFF;
	_ =	strace $0x90000055  }
0xb2: {  	s29 =	simm.s32 $0x9;
	_ =	strace $0x80000057  }
0xb3: {  	_ =	swait.ge [sflag:s29], $0x1  }
0xb4: {  	[sflag:s29] =	ssyncadd.s32 $0xFFFFFFFF  }
0xb5: {  	_ =	strace $0x90000057  }
0xb6: {  	_ =	sfence  }
0xb7: {  	s30 =	sld [smem:$0x0];
	_ =	sdelay $0x2  }
0xb8: {  	s31 =	sshll.u32 s1, $0xD;
	s1 =	sshrl.u32 s1, $0x2  }
0xb9: {  	s3 =	sand.u32 $0x4000, s31;
	s1 =	sadd.s32 s1, s30  }
0xba: {  	s0 =	sor.u32 s3, s0;
	s1 =	sshll.u32 s1, $0x11  }
0xbb: {  	s0 =	sor.u32 s1, s0  }
0xbc: {  	s0 =	sadd.s32 $0x8F2B, s0  }
0xbd: {  	[sflag:s0] =	ssyncadd.remote.s32 $0x1  }
0xbe: {  	_ =	sfence.sel $0xFFFF  }
0xbf: {  	[dreg:$0x0] =	wrdreg $0xFFFFFFFF;
	(pc) =	sbr.abs _section_cstart, $3  }
0xc0: {  	[dreg:$0x1] =	wrdreg $0xFFFFFFFF  }
0xc1: {  	_ =	task.clear_ibuf [dreg:s6], $0x2FFFF;
	_ =	strace $0x9FFFFFFF  }
0xc2: {  	(tm) =	ssettm $0x7FFFFFFF  }
0xc3: {  	_ =	shalt  }
tec
execute0_lowered:
.L_overlay_start_1:
0x0: {  	(tag) =	ssettag $0x1  }
0x1: {  	s6 =	rddreg [dreg:$0x0]  }
0x2: {  	s2 =	rddreg [dreg:$0x1]  }
0x3: {  	s0 =	srdreg.scid;
	s1 =	rddreg [dreg:$0x2]  }
0x4: {  	s3 =	simm.s32 $0x0;
	s12 =	simm.s32 $0x2;
	s5 =	sand.u32 $0x1, s0  }
0x5: {  	s13 =	simm.s32 $0x50;
	s0 =	stileid.u32;
	s4 =	smul.u32 $0x27100, s5  }
0x6: {  	s14 =	simm.s32 $0xA0;
	s15 =	simm.s32 $0x1;
	s7 =	smul.u32 $0x2710, s0  }
0x7: {  	s16 =	simm.s32 $0x0;
	[smem:$0x7FF] =	sst s3;
	s8 =	smul.u32 $0xA000, s0  }
0x8: {  	s9 =	smul.u32 $0xA0000, s5;
	_ =	strace $0x80000056;
	s29 =	ssub.s32 $0x2, s5  }
0x9: {  	s5 =	sadd.s32 $0x2BA00, s6;
	s30 =	sshll.u32 s0, $0x6;
	s11 =	sshrl.u32 s29, $0x1  }
0xa: {  	s7 =	sadd.s32 s7, s4;
	s4 =	sadd.s32 $0x18000, s6;
	s28 =	sadd.s32 s8, s9  }
0xb: {  	s9 =	ssub.s32 s29, s11;
	s31 =	sadd.s32 s8, s2;
	s7 =	sshrl.u32 s7, $0x3  }
0xc: {  	s8 =	smax.u32 s9, $0x1;
	s10 =	sadd.s32 s7, s6;
	s7 =	sshrl.u32 s28, $0x3  }
0xd: {  	s11 =	sshrl.u32 s31, $0x3;
	s7 =	sadd.s32 s7, s6;
	s6 =	sor.u32 $0x1C02, s30  }
0xe: {  	s9 =	sadd.s32 $0x4400, s10;
	s10 =	sadd.s32 $0xE200, s10;
	s7 =	sadd.s32 $0x2CE00, s7  }
.LBB2_1:
0xf: {  	[spmem:s11], [sflag:s6] =	dma.local [hbm:s5], $0x1400  }
0x10: {  	_ =	swait.ge [sflag:s12], $0x1400  }
0x11: {  	[sflag:s12] =	ssyncset.done $0x0  }
0x12: {  	[sflag:s12] =	ssyncadd.s32 $0xFFFFEC00  }
0x13: {  	s17 =	sadd.s32 $0x0, s10;
	[bflag:$0x0] =	sbarrier.arrive $0xFFFF  }
0x14: {  	[tilespmem:s3], [sflag:$0x2] =	stream.linear.gather [hbm4b:s17+s3], $0x50, $0x38;
	[tilespmem:$0xB4A0] =	vst v63  }
0x15: {  	_ =	swait.ge [sflag:s12], $0x50  }
0x16: {  	[sflag:s12] =	ssyncset.done $0x0  }
0x17: {  	s31 =	sadd.s32 $0x0, s9;
	[sflag:s12] =	ssyncadd.s32 $0xFFFFFFB0  }
0x18: {  	[tilespmem:s13], [sflag:$0x2] =	stream.linear.gather [hbm4b:s31+s3], $0x50, $0x38;
	[tilespmem:$0xB4A0] =	vst v63  }
0x19: {  	_ =	swait.ge [sflag:s12], $0x50  }
0x1a: {  	[sflag:s12] =	ssyncset.done $0x0  }
0x1b: {  	[sflag:s12] =	ssyncadd.s32 $0xFFFFFFB0  }
0x1c: {  	[tilespmem:s14], [sflag:$0x1] =	stream.indirect.gather [hbm4b:s4+s13], $0x40, s3, s13, $0xb8;
	[tilespmem:$0xB4A0] =	vst v63  }
0x1d: {  	_ =	swait.ge [sflag:s15], $0x1400  }
0x1e: {  	[sflag:s15] =	ssyncset.done $0x0  }
0x1f: {  	[sflag:s15] =	ssyncadd.s32 $0xFFFFEC00  }
0x20: {  	[spmem:s2] =	stream.indirect.scatter.add.f32 [tilespmem:s14], [sflag:$0x2], $0x40, s13, s13, $0xb8;
	[tilespmem:$0xB4A0] =	vst v63  }
0x21: {  	_ =	swait.ge [sflag:s12], $0x1400  }
0x22: {  	s18 =	simm.s32 $0x14;
	s17 =	simm.s32 $0xA;
	[sflag:s12] =	ssyncset.done $0x0  }
.LBB2_2:
0x23: {  	s19 =	sadd.s32 s17, s10  }
0x24: {  	[sflag:s12] =	ssyncadd.s32 $0xFFFFEC00;
	s20 =	smov.u32 s18;
	s21 =	sadd.s32 $0xA, s18  }
0x25: {  	[tilespmem:s3], [sflag:$0x2] =	stream.linear.gather [hbm4b:s19+s3], $0x50, $0x38;
	[tilespmem:$0xB4A0] =	vst v63  }
0x26: {  	p0 =	sne.s32 s18, $0x4D8;
	_ =	swait.ge [sflag:s12], $0x50  }
0x27: {  	[sflag:s12] =	ssyncset.done $0x0  }
0x28: {  	s18 =	sadd.s32 s17, s9;
	s17 =	smov.u32 s20;
	[sflag:s12] =	ssyncadd.s32 $0xFFFFFFB0  }
0x29: {  	[tilespmem:s13], [sflag:$0x2] =	stream.linear.gather [hbm4b:s18+s3], $0x50, $0x38;
	[tilespmem:$0xB4A0] =	vst v63  }
0x2a: {  	_ =	swait.ge [sflag:s12], $0x50  }
0x2b: {  	[sflag:s12] =	ssyncset.done $0x0  }
0x2c: {  	[sflag:s12] =	ssyncadd.s32 $0xFFFFFFB0  }
0x2d: {  	[tilespmem:s14], [sflag:$0x1] =	stream.indirect.gather [hbm4b:s4+s13], $0x40, s3, s13, $0xb8;
	[tilespmem:$0xB4A0] =	vst v63  }
0x2e: {  	_ =	swait.ge [sflag:s15], $0x1400  }
.Ltmp0:
0x2f: {  	[sflag:s15] =	ssyncset.done $0x0;
	(pc) =	sbr.rel @p0 .LBB2_2-.Ltmp0, $4  }
0x30: {  	[sflag:s15] =	ssyncadd.s32 $0xFFFFEC00  }
0x31: {  	[spmem:s2] =	stream.indirect.scatter.add.f32 [tilespmem:s14], [sflag:$0x2], $0x40, s13, s13, $0xb8;
	[tilespmem:$0xB4A0] =	vst v63  }
0x32: {  	_ =	swait.ge [sflag:s12], $0x1400  }
0x33: {  	s18 =	smov.u32 s21;
	[sflag:s12] =	ssyncset.done $0x0  }
0x34: {  	s18 =	sadd.s32 s17, s10;
	[sflag:s12] =	ssyncadd.s32 $0xFFFFEC00  }
0x35: {  	[tilespmem:s3], [sflag:$0x2] =	stream.linear.gather [hbm4b:s18+s3], $0x50, $0x38;
	[tilespmem:$0xB4A0] =	vst v63  }
0x36: {  	_ =	swait.ge [sflag:s12], $0x50  }
0x37: {  	[sflag:s12] =	ssyncset.done $0x0  }
0x38: {  	s31 =	sadd.s32 s17, s9;
	[sflag:s12] =	ssyncadd.s32 $0xFFFFFFB0  }
0x39: {  	[tilespmem:s13], [sflag:$0x2] =	stream.linear.gather [hbm4b:s31+s3], $0x50, $0x38;
	[tilespmem:$0xB4A0] =	vst v63  }
0x3a: {  	_ =	swait.ge [sflag:s12], $0x50  }
0x3b: {  	[sflag:s12] =	ssyncset.done $0x0  }
0x3c: {  	[sflag:s12] =	ssyncadd.s32 $0xFFFFFFB0  }
0x3d: {  	[tilespmem:s14], [sflag:$0x1] =	stream.indirect.gather [hbm4b:s4+s13], $0x40, s3, s13, $0xb8;
	[tilespmem:$0xB4A0] =	vst v63  }
0x3e: {  	_ =	swait.ge [sflag:s15], $0x1400  }
0x3f: {  	[sflag:s15] =	ssyncset.done $0x0  }
0x40: {  	[sflag:s15] =	ssyncadd.s32 $0xFFFFEC00  }
0x41: {  	[spmem:s2] =	stream.indirect.scatter.add.f32 [tilespmem:s14], [sflag:$0x2], $0x40, s13, s13, $0xb8;
	[tilespmem:$0xB4A0] =	vst v63  }
0x42: {  	_ =	swait.ge [sflag:s12], $0x1400  }
0x43: {  	s16 =	sadd.s32 $0x1, s16;
	[sflag:s12] =	ssyncset.done $0x0  }
0x44: {  	p0 =	sne.s32 s16, s8;
	[sflag:s12] =	ssyncadd.s32 $0xFFFFEC00  }
.Ltmp1:
0x45: {  	[bflag:$0x0] =	sbarrier.arrive $0xFFFF;
	(pc) =	sbr.rel @p0 .LBB2_1-.Ltmp1, $4  }
0x46: {  	[hbm:s7], [sflag:s6] =	dma.local [spmem:s11], $0x1400  }
0x47: {  	_ =	swait.ge [sflag:s12], $0x1400  }
0x48: {  	[sflag:s12] =	ssyncset.done $0x0  }
0x49: {  	[sflag:s12] =	ssyncadd.s32 $0xFFFFEC00  }
0x4a: {  	_ =	sfence.sel $0x180000  }
0x4b: {  	[bflag:$0x0] =	sbarrier.arrive $0xFFFF  }
0x4c: {  	p0 =	sne.s32 s0, $0x0;
	_ =	strace $0x90000056  }
0x4d: {  	s0 =	sadd.s32 @!p0 $0x100000, s1;
	[bflag:$0x2] =	sbarrier.arrive $0xFFFF  }
0x4e: {  	[sflag:s0] =	ssyncadd.tile.s32 @!p0 $0x1;
	_ =	shalt  }
.Lfunc_end2:
_tile_overlayer_lowered:
.L_overlay_start_2:
0x4f: {  	(tag) =	ssettag $0x2  }
0x50: {  	s0 =	rddreg [dreg:$0x0];
	s2 =	stileid.u32  }
0x51: {  	s1 =	rddreg [dreg:$0x1];
	p0 =	sne.s32 s2, $0x0  }
0x52: {  	s3 =	rddreg [dreg:$0x2];
	[bflag:$0x3] =	sbarrier.arrive $0xFFFF;
	s2 =	simm.s32 @!p0 $0x1C02  }
0x53: {  	[timem:s3], [sflag:s2] =	dma.local @!p0 [hbm:s0], s1  }
0x54: {  	s0 =	simm.s32 @!p0 $0x2  }
0x55: {  	_ =	swait.ge @!p0 [sflag:s0], s1  }
0x56: {  	s1 =	ssub.s32 @!p0 $0x0, s1;
	[sflag:s0] =	ssyncset.done @!p0 $0x0  }
0x57: {  	[sflag:s0] =	ssyncadd.s32 @!p0 s1  }
0x58: {  	[bflag:$0x3] =	sbarrier.arrive $0xFFFF  }
0x59: {  	_ =	shalt  }

</sc_bundles>
